<compile_context>
chip_gen: v7x
topology: tpu7x:2x2x1
jax: 0.10.2.dev20260603
libtpu: 0.0.44.dev20260713+nightly
codegen_flags: <defaults>
</compile_context>

<pallas_src>
import functools

import jax
import jax.numpy as jnp
from jax import lax
from jax.experimental import pallas as pl
from jax.experimental.pallas import tpu as pltpu
from jax.experimental.pallas import tpu_sc as plsc

N = 5000
NP = 5120
B = 256
NB = NP // B
RB = 512
NR = NP // RB
IOU_T = 0.5
F32 = jnp.float32

SC_NC, SC_NS, SC_L = 2, 16, 16
NW = SC_NC * SC_NS
CHUNK = NP // NW
SUB = 80
D = 128


def _sup_matrix(y1a, x1a, y2a, x2a, aa, la, y1b, x1b, y2b, x2b, ab, lb):
    iy1 = jnp.maximum(y1a, y1b)
    ix1 = jnp.maximum(x1a, x1b)
    iy2 = jnp.minimum(y2a, y2b)
    ix2 = jnp.minimum(x2a, x2b)
    ih = jnp.maximum(iy2 - iy1, 0.0)
    iw = jnp.maximum(ix2 - ix1, 0.0)
    inter = ih * iw
    union = aa + ab - inter
    iou = inter / jnp.maximum(union, 1e-9)
    return ((iou > IOU_T) & (la == lb)).astype(F32)


def _rank_permute_kernel(scol_f_ref, srow_b_ref, box_ref, lab_ref, sc_b_ref,
                         rank_row_ref, packed_ref):
    r = pl.program_id(0)

    scol = scol_f_ref[...]
    srow_b = srow_b_ref[...]
    jj = jax.lax.broadcasted_iota(jnp.int32, (NP, RB), 0)
    ii = jax.lax.broadcasted_iota(jnp.int32, (NP, RB), 1) + r * RB
    cmp_t = ((scol > srow_b) | ((scol == srow_b) & (jj < ii))).astype(jnp.bfloat16)
    ones_row = jnp.ones((1, NP), jnp.bfloat16)
    rank_row = jax.lax.dot_general(
        ones_row, cmp_t, (((1,), (0,)), ((), ())),
        preferred_element_type=F32)
    rank_row_ref[...] = rank_row

    b = box_ref[...]
    yc, xc = b[:, 0:1], b[:, 1:2]
    h, w = jnp.abs(b[:, 2:3]), jnp.abs(b[:, 3:4])
    y1 = yc - h / 2.0
    x1 = xc - w / 2.0
    y2 = yc + h / 2.0
    x2 = xc + w / 2.0
    area = h * w
    lab = lab_ref[...]
    sc_b = sc_b_ref[...]
    packed_ref[...] = jnp.concatenate(
        [y1, x1, y2, x2, area, lab, b, sc_b,
         jnp.zeros((RB, D - 11), F32)], axis=1)


def _nms_kernel(col_ref, rowf_ref, rowb_ref, keep_ref, keep_col_ref):
    b = pl.program_id(0)

    @pl.when(b == 0)
    def _():
        keep_ref[...] = jnp.ones_like(keep_ref)

    colb = col_ref[...]
    y1c, x1c, y2c, x2c = colb[:, 0:1], colb[:, 1:2], colb[:, 2:3], colb[:, 3:4]
    ac, lc = colb[:, 4:5], colb[:, 5:6]

    rowf = rowf_ref[...]
    s_full = _sup_matrix(y1c, x1c, y2c, x2c, ac, lc,
                         rowf[0:1, :], rowf[1:2, :], rowf[2:3, :],
                         rowf[3:4, :], rowf[4:5, :], rowf[5:6, :])

    rowb = rowb_ref[...]
    s_bb = _sup_matrix(y1c, x1c, y2c, x2c, ac, lc,
                       rowb[0:1, :], rowb[1:2, :], rowb[2:3, :],
                       rowb[3:4, :], rowb[4:5, :], rowb[5:6, :])
    sub_bb = jax.lax.broadcasted_iota(jnp.int32, (B, B), 0)
    lane_bb = jax.lax.broadcasted_iota(jnp.int32, (B, B), 1)
    s_ut = s_bb * (sub_bb < lane_bb).astype(F32)

    keep_old = keep_ref[...]
    keep_blk = keep_ref[0:1, pl.ds(b * B, B)]

    kb0 = keep_blk

    def cond(c):
        t, _, changed = c
        return changed & (t <= B)

    s_ut16 = s_ut.astype(jnp.bfloat16)

    def _step(kb):
        dead_b = jax.lax.dot_general(
            kb.astype(jnp.bfloat16), s_ut16, (((1,), (0,)), ((), ())),
            preferred_element_type=F32)
        return kb0 * (1.0 - jnp.minimum(dead_b, 1.0))

    def body(c):
        t, kb, _ = c
        kb_new = _step(_step(kb))
        return (t + 1, kb_new, jnp.any(kb_new != kb))

    _, keep_blk, _ = jax.lax.while_loop(
        cond, body, (jnp.int32(0), kb0, jnp.bool_(True)))

    dead = jax.lax.dot_general(
        keep_blk.astype(jnp.bfloat16), s_full.astype(jnp.bfloat16),
        (((1,), (0,)), ((), ())),
        preferred_element_type=F32)
    dead = jnp.minimum(dead, 1.0)

    lane_np = jax.lax.broadcasted_iota(jnp.int32, (1, NP), 1)
    future = (lane_np >= (b + 1) * B).astype(F32)
    keep_ref[...] = keep_old * (1.0 - dead * future)
    keep_ref[0:1, pl.ds(b * B, B)] = keep_blk
    keep_col_ref[...] = keep_blk.T


def _finalize_kernel(keep_col_ref, sorted_ref, out_ref):
    m_col = keep_col_ref[...]
    fields = sorted_ref[:, 6:11]
    out_ref[...] = jnp.concatenate(
        [fields * m_col, jnp.zeros((NP, D - 5), F32)], axis=1)


def _sc_row_scatter_call(table, idx3_i32):
    mesh = plsc.VectorSubcoreMesh(core_axis_name="c", subcore_axis_name="s")

    @functools.partial(
        pl.kernel, mesh=mesh,
        out_type=jax.ShapeDtypeStruct((NP, D), F32),
        scratch_types=[
            pltpu.VMEM((CHUNK // SUB, SUB), jnp.int32),
            pltpu.VMEM((CHUNK, D), F32),
            pltpu.SemaphoreType.DMA,
        ],
    )
    def k(table_hbm, idx_hbm, out_hbm, idx_v, rows_v, sem):
        wid = lax.axis_index("s") * SC_NC + lax.axis_index("c")
        base = wid * CHUNK
        pltpu.sync_copy(idx_hbm.at[wid], idx_v)
        pltpu.sync_copy(table_hbm.at[pl.ds(base, CHUNK)], rows_v)
        for c in range(CHUNK // SUB):
            pltpu.async_copy(rows_v.at[pl.ds(c * SUB, SUB)],
                             out_hbm.at[idx_v.at[c]], sem).wait()

    return k(table, idx3_i32)


def _sc_row_gather_call(table, idx_i32):
    mesh = plsc.VectorSubcoreMesh(core_axis_name="c", subcore_axis_name="s")

    @functools.partial(
        pl.kernel, mesh=mesh,
        out_type=jax.ShapeDtypeStruct((NP, D), F32),
        scratch_types=[
            pltpu.VMEM((CHUNK,), jnp.int32),
            pltpu.VMEM((CHUNK, D), F32),
            pltpu.SemaphoreType.DMA,
        ],
    )
    def k(table_hbm, idx_hbm, out_hbm, idx_v, rows_v, sem):
        wid = lax.axis_index("s") * SC_NC + lax.axis_index("c")
        base = wid * CHUNK
        pltpu.sync_copy(idx_hbm.at[pl.ds(base, CHUNK)], idx_v)
        for c in range(CHUNK // SUB):
            pltpu.async_copy(table_hbm.at[idx_v.at[pl.ds(c * SUB, SUB)]],
                             rows_v.at[pl.ds(c * SUB, SUB)], sem).wait()
        pltpu.sync_copy(rows_v, out_hbm.at[pl.ds(base, CHUNK)])

    return k(table, idx_i32)


def kernel(boxes, labels, scores):
    boxes = boxes.astype(F32)
    scores = scores.astype(F32)
    lab_f = labels.astype(F32)

    pad = NP - N
    boxes_p = jnp.concatenate([boxes, jnp.zeros((pad, 4), F32)], axis=0)
    scores_p = jnp.concatenate([scores, jnp.full((pad,), -1.0, F32)], axis=0)
    lab_p = jnp.concatenate([lab_f, jnp.full((pad,), -1.0, F32)], axis=0)

    scol = scores_p.reshape(NP, 1)
    srow = scores_p.reshape(1, NP)
    lcol = lab_p.reshape(NP, 1)

    rank_row, packed = pl.pallas_call(
        _rank_permute_kernel,
        grid=(NR,),
        in_specs=[
            pl.BlockSpec((NP, 1), lambda r: (0, 0)),
            pl.BlockSpec((1, RB), lambda r: (0, r)),
            pl.BlockSpec((RB, 4), lambda r: (r, 0)),
            pl.BlockSpec((RB, 1), lambda r: (r, 0)),
            pl.BlockSpec((RB, 1), lambda r: (r, 0)),
        ],
        out_specs=[
            pl.BlockSpec((1, RB), lambda r: (0, r)),
            pl.BlockSpec((RB, D), lambda r: (r, 0)),
        ],
        out_shape=[
            jax.ShapeDtypeStruct((1, NP), F32),
            jax.ShapeDtypeStruct((NP, D), F32),
        ],
    )(scol, srow, boxes_p, lcol, scol)

    rank_i32 = rank_row.reshape(NP).astype(jnp.int32)
    rank3 = rank_i32.reshape(NW, CHUNK // SUB, SUB)

    sorted_p = _sc_row_scatter_call(packed, rank3)

    sorted_row = sorted_p.T

    keep_row, keep_col = pl.pallas_call(
        _nms_kernel,
        grid=(NB,),
        in_specs=[
            pl.BlockSpec((B, D), lambda b: (b, 0)),
            pl.BlockSpec((D, NP), lambda b: (0, 0)),
            pl.BlockSpec((D, B), lambda b: (0, b)),
        ],
        out_specs=[
            pl.BlockSpec((1, NP), lambda b: (0, 0)),
            pl.BlockSpec((B, 1), lambda b: (b, 0)),
        ],
        out_shape=[
            jax.ShapeDtypeStruct((1, NP), F32),
            jax.ShapeDtypeStruct((NP, 1), F32),
        ],
    )(sorted_p, sorted_row, sorted_row)

    out_sorted = pl.pallas_call(
        _finalize_kernel,
        grid=(1,),
        in_specs=[
            pl.BlockSpec((NP, 1), lambda r: (0, 0)),
            pl.BlockSpec((NP, D), lambda r: (0, 0)),
        ],
        out_specs=pl.BlockSpec((NP, D), lambda r: (0, 0)),
        out_shape=jax.ShapeDtypeStruct((NP, D), F32),
    )(keep_col, sorted_p)

    out_rows = _sc_row_gather_call(out_sorted, rank_i32)

    return out_rows[:N, :5]

# --- scband reference (transcript-rebuilt; emitter-appended) ---
"""Pipeline reference for scband-object-detection-module-27599459844430 (READ-ONLY COPY).

The authoritative reference and input builder live on the scoring server;
editing this copy changes nothing except your own understanding.
"""

import jax, jax.numpy as jnp
import numpy as np

N = 5000
NUM_CLASSES = 8
IOU_THRESHOLD = 0.5


def setup_inputs(seed: int = 0) -> dict:
    key = jax.random.key(seed)
    k1, k2, k3, k4 = jax.random.split(key, 4)
    # yxhw boxes: centers uniform over a 512x512 image, sizes in [8, 128]
    centers = jax.random.uniform(k1, (N, 2), dtype=jnp.float32, minval=0.0, maxval=512.0)
    sizes = jax.random.uniform(k2, (N, 2), dtype=jnp.float32, minval=8.0, maxval=128.0)
    boxes = jnp.concatenate([centers, sizes], axis=1)  # [N, 4] = (yc, xc, h, w)
    scores = jax.random.uniform(k3, (N,), dtype=jnp.float32)
    labels = jax.random.randint(k4, (N,), 0, NUM_CLASSES, dtype=jnp.int64 if jax.config.jax_enable_x64 else jnp.int32)
    return {"boxes": boxes, "labels": labels, "scores": scores}


def _nms_yxhw(boxes, labels, scores, iou_threshold):
    # Greedy class-aware NMS, faithful to torchvision-style nms applied per label.
    n = boxes.shape[0]
    order = jnp.argsort(-scores)           # score-descending order
    b = boxes[order]
    lab = labels[order]

    yc, xc = b[:, 0], b[:, 1]
    h, w = jnp.abs(b[:, 2]), jnp.abs(b[:, 3])
    y1 = yc - h / 2.0
    x1 = xc - w / 2.0
    y2 = yc + h / 2.0
    x2 = xc + w / 2.0
    area = h * w

    # Pairwise IoU matrix [N, N] -- O(N^2) compute
    iy1 = jnp.maximum(y1[:, None], y1[None, :])
    ix1 = jnp.maximum(x1[:, None], x1[None, :])
    iy2 = jnp.minimum(y2[:, None], y2[None, :])
    ix2 = jnp.minimum(x2[:, None], x2[None, :])
    ih = jnp.clip(iy2 - iy1, 0.0)
    iw = jnp.clip(ix2 - ix1, 0.0)
    inter = ih * iw
    union = area[:, None] + area[None, :] - inter
    iou = inter / jnp.maximum(union, 1e-9)

    same_label = lab[:, None] == lab[None, :]
    suppress = (iou > iou_threshold) & same_label

    idx = jnp.arange(n)

    def body(i, keep):
        # if box i (in score order) is still kept, suppress all later boxes it overlaps
        row = suppress[i] & keep[i] & (idx > i)
        return keep & (~row)

    keep_sorted = jax.lax.fori_loop(0, n, body, jnp.ones((n,), dtype=bool))

    inv = jnp.argsort(order)
    keep = keep_sorted[inv]               # back to original box order
    m = keep.astype(boxes.dtype)
    # fixed-shape NMS output: survivors retain values, suppressed boxes zeroed
    out = jnp.concatenate([boxes * m[:, None], (scores * m)[:, None]], axis=1)  # [N, 5]
    return out


def reference(boxes, labels, scores):
    return _nms_yxhw(boxes, labels, scores, IOU_THRESHOLD)

if __name__ == "__main__":
    import jax
    _d = setup_inputs()
    print(jax.jit(kernel)(*tuple(_d.values())))

</pallas_src>

<mosaic_0001>
#map = affine_map<(d0, d1) -> (0, 0)>
#map1 = affine_map<(d0, d1) -> (0)>
module attributes {stable_mosaic.version = 14 : i64} {
  func.func @k(%arg0: i32, %arg1: i32, %arg2: memref<5120x128xf32, #tpu.memory_space<hbm>>, %arg3: memref<5120xi32, #tpu.memory_space<hbm>>, %arg4: memref<5120x128xf32, #tpu.memory_space<hbm>>, %arg5: memref<160xi32, #tpu.memory_space<vmem>>, %arg6: memref<160x128xf32, #tpu.memory_space<vmem>>, %arg7: memref<!tpu.dma_semaphore, #tpu.memory_space<semaphore_mem>>) attributes {dimension_semantics = [#tpu.dimension_semantics<core_parallel>, #tpu.dimension_semantics<subcore_parallel>], iteration_bounds = array<i64: 2, 16>, scalar_prefetch = 0 : i64, scratch_operands = 3 : i64, tpu.core_type = #tpu.core_type<sc_vector_subcore>, window_params = [{transform_indices = #map}, {transform_indices = #map1}, {transform_indices = #map}]} {
    %mul3A = arith.constant 2 : i32
    %mul3A_0 = arith.muli %arg1, %mul3A : i32
    %add3A = arith.addi %mul3A_0, %arg0 : i32
    %mul3A_1 = arith.constant 160 : i32
    %mul3A_2 = arith.muli %add3A, %mul3A_1 : i32
    "tpu.region"() ({
      %run_scoped3A = tpu.sem_alloc : memref<!tpu.dma_semaphore, #tpu.memory_space<semaphore_mem>>
      %dma_start3A_33 = tpu.memref_slice %arg3[%mul3A_2] : memref<5120xi32, #tpu.memory_space<hbm>> -> memref<160xi32, #tpu.memory_space<hbm>>
      %dma_start3A_34 = tpu.memref_slice %arg3[%mul3A_2] : memref<5120xi32, #tpu.memory_space<hbm>> -> memref<160xi32, #tpu.memory_space<hbm>>
      tpu.enqueue_dma source(%dma_start3A_34 : memref<160xi32, #tpu.memory_space<hbm>>) target(%arg5 : memref<160xi32, #tpu.memory_space<vmem>>) target_semaphore(%run_scoped3A : memref<!tpu.dma_semaphore, #tpu.memory_space<semaphore_mem>>)
      %dma_wait3A_35 = tpu.memref_slice %arg3[%mul3A_2] : memref<5120xi32, #tpu.memory_space<hbm>> -> memref<160xi32, #tpu.memory_space<hbm>>
      %dma_wait3A_36 = tpu.memref_slice %arg3[%mul3A_2] : memref<5120xi32, #tpu.memory_space<hbm>> -> memref<160xi32, #tpu.memory_space<hbm>>
      tpu.wait_dma2 semaphore(%run_scoped3A : memref<!tpu.dma_semaphore, #tpu.memory_space<semaphore_mem>>) src(%dma_wait3A_36 : memref<160xi32, #tpu.memory_space<hbm>>) dst(%arg5 : memref<160xi32, #tpu.memory_space<vmem>>)
      tpu.yield
    }) : () -> ()
    %dma_start3A = arith.constant 0 : i32
    %dma_start3A_3 = arith.constant 0 : i32
    %dma_start3A_4 = tpu.memref_slice %arg6[%dma_start3A, %dma_start3A_3] : memref<160x128xf32, #tpu.memory_space<vmem>> -> memref<80x128xf32, #tpu.memory_space<vmem>>
    %dma_start3A_5 = arith.constant 0 : i32
    %dma_start3A_6 = tpu.memref_slice %arg5[%dma_start3A_5] : memref<160xi32, #tpu.memory_space<vmem>> -> memref<80xi32, #tpu.memory_space<vmem>>
    %dma_start3A_7 = arith.constant 0 : i32
    %dma_start3A_8 = arith.constant 0 : i32
    %dma_start3A_9 = tpu.memref_slice %arg2[%dma_start3A_7, %dma_start3A_8] : memref<5120x128xf32, #tpu.memory_space<hbm>> -> memref<5120x128xf32, #tpu.memory_space<hbm>>
    tpu.enqueue_indirect_dma source(%dma_start3A_9 : memref<5120x128xf32, #tpu.memory_space<hbm>>) target(%dma_start3A_4 : memref<80x128xf32, #tpu.memory_space<vmem>>) offsets(%dma_start3A_6 : memref<80xi32, #tpu.memory_space<vmem>>) semaphore(%arg7 : memref<!tpu.dma_semaphore, #tpu.memory_space<semaphore_mem>>)
    %dma_wait3A = arith.constant 0 : i32
    %dma_wait3A_10 = arith.constant 0 : i32
    %dma_wait3A_11 = tpu.memref_slice %arg6[%dma_wait3A, %dma_wait3A_10] : memref<160x128xf32, #tpu.memory_space<vmem>> -> memref<80x128xf32, #tpu.memory_space<vmem>>
    %dma_wait3A_12 = arith.constant 0 : i32
    %dma_wait3A_13 = tpu.memref_slice %arg5[%dma_wait3A_12] : memref<160xi32, #tpu.memory_space<vmem>> -> memref<80xi32, #tpu.memory_space<vmem>>
    %dma_wait3A_14 = arith.constant 0 : i32
    %dma_wait3A_15 = arith.constant 0 : i32
    %dma_wait3A_16 = tpu.memref_slice %arg2[%dma_wait3A_14, %dma_wait3A_15] : memref<5120x128xf32, #tpu.memory_space<hbm>> -> memref<5120x128xf32, #tpu.memory_space<hbm>>
    tpu.wait_indirect_dma semaphore(%arg7 : memref<!tpu.dma_semaphore, #tpu.memory_space<semaphore_mem>>) src(%dma_wait3A_16 : memref<5120x128xf32, #tpu.memory_space<hbm>>) dst(%dma_wait3A_11 : memref<80x128xf32, #tpu.memory_space<vmem>>)
    %dma_start3A_17 = arith.constant 80 : i32
    %dma_start3A_18 = arith.constant 0 : i32
    %dma_start3A_19 = tpu.memref_slice %arg6[%dma_start3A_17, %dma_start3A_18] : memref<160x128xf32, #tpu.memory_space<vmem>> -> memref<80x128xf32, #tpu.memory_space<vmem>>
    %dma_start3A_20 = arith.constant 80 : i32
    %dma_start3A_21 = tpu.memref_slice %arg5[%dma_start3A_20] : memref<160xi32, #tpu.memory_space<vmem>> -> memref<80xi32, #tpu.memory_space<vmem>>
    %dma_start3A_22 = arith.constant 0 : i32
    %dma_start3A_23 = arith.constant 0 : i32
    %dma_start3A_24 = tpu.memref_slice %arg2[%dma_start3A_22, %dma_start3A_23] : memref<5120x128xf32, #tpu.memory_space<hbm>> -> memref<5120x128xf32, #tpu.memory_space<hbm>>
    tpu.enqueue_indirect_dma source(%dma_start3A_24 : memref<5120x128xf32, #tpu.memory_space<hbm>>) target(%dma_start3A_19 : memref<80x128xf32, #tpu.memory_space<vmem>>) offsets(%dma_start3A_21 : memref<80xi32, #tpu.memory_space<vmem>>) semaphore(%arg7 : memref<!tpu.dma_semaphore, #tpu.memory_space<semaphore_mem>>)
    %dma_wait3A_25 = arith.constant 80 : i32
    %dma_wait3A_26 = arith.constant 0 : i32
    %dma_wait3A_27 = tpu.memref_slice %arg6[%dma_wait3A_25, %dma_wait3A_26] : memref<160x128xf32, #tpu.memory_space<vmem>> -> memref<80x128xf32, #tpu.memory_space<vmem>>
    %dma_wait3A_28 = arith.constant 80 : i32
    %dma_wait3A_29 = tpu.memref_slice %arg5[%dma_wait3A_28] : memref<160xi32, #tpu.memory_space<vmem>> -> memref<80xi32, #tpu.memory_space<vmem>>
    %dma_wait3A_30 = arith.constant 0 : i32
    %dma_wait3A_31 = arith.constant 0 : i32
    %dma_wait3A_32 = tpu.memref_slice %arg2[%dma_wait3A_30, %dma_wait3A_31] : memref<5120x128xf32, #tpu.memory_space<hbm>> -> memref<5120x128xf32, #tpu.memory_space<hbm>>
    tpu.wait_indirect_dma semaphore(%arg7 : memref<!tpu.dma_semaphore, #tpu.memory_space<semaphore_mem>>) src(%dma_wait3A_32 : memref<5120x128xf32, #tpu.memory_space<hbm>>) dst(%dma_wait3A_27 : memref<80x128xf32, #tpu.memory_space<vmem>>)
    "tpu.region"() ({
      %run_scoped3A = tpu.sem_alloc : memref<!tpu.dma_semaphore, #tpu.memory_space<semaphore_mem>>
      %dma_start3A_33 = arith.constant 0 : i32
      %dma_start3A_34 = tpu.memref_slice %arg4[%mul3A_2, %dma_start3A_33] : memref<5120x128xf32, #tpu.memory_space<hbm>> -> memref<160x128xf32, #tpu.memory_space<hbm>>
      %dma_start3A_35 = arith.constant 0 : i32
      %dma_start3A_36 = tpu.memref_slice %arg4[%mul3A_2, %dma_start3A_35] : memref<5120x128xf32, #tpu.memory_space<hbm>> -> memref<160x128xf32, #tpu.memory_space<hbm>>
      tpu.enqueue_dma source(%arg6 : memref<160x128xf32, #tpu.memory_space<vmem>>) target(%dma_start3A_36 : memref<160x128xf32, #tpu.memory_space<hbm>>) target_semaphore(%run_scoped3A : memref<!tpu.dma_semaphore, #tpu.memory_space<semaphore_mem>>)
      %dma_wait3A_37 = arith.constant 0 : i32
      %dma_wait3A_38 = tpu.memref_slice %arg4[%mul3A_2, %dma_wait3A_37] : memref<5120x128xf32, #tpu.memory_space<hbm>> -> memref<160x128xf32, #tpu.memory_space<hbm>>
      %dma_wait3A_39 = arith.constant 0 : i32
      %dma_wait3A_40 = tpu.memref_slice %arg4[%mul3A_2, %dma_wait3A_39] : memref<5120x128xf32, #tpu.memory_space<hbm>> -> memref<160x128xf32, #tpu.memory_space<hbm>>
      tpu.wait_dma2 semaphore(%run_scoped3A : memref<!tpu.dma_semaphore, #tpu.memory_space<semaphore_mem>>) src(%arg6 : memref<160x128xf32, #tpu.memory_space<vmem>>) dst(%dma_wait3A_40 : memref<160x128xf32, #tpu.memory_space<hbm>>)
      tpu.yield
    }) : () -> ()
    return
  }
}

#map = affine_map<(d0, d1) -> (0, 0)>
#map1 = affine_map<(d0, d1) -> (0, 0, 0)>
module attributes {stable_mosaic.version = 14 : i64} {
  func.func @k(%arg0: i32, %arg1: i32, %arg2: memref<5120x128xf32, #tpu.memory_space<hbm>>, %arg3: memref<32x2x80xi32, #tpu.memory_space<hbm>>, %arg4: memref<5120x128xf32, #tpu.memory_space<hbm>>, %arg5: memref<2x80xi32, #tpu.memory_space<vmem>>, %arg6: memref<160x128xf32, #tpu.memory_space<vmem>>, %arg7: memref<!tpu.dma_semaphore, #tpu.memory_space<semaphore_mem>>) attributes {dimension_semantics = [#tpu.dimension_semantics<core_parallel>, #tpu.dimension_semantics<subcore_parallel>], iteration_bounds = array<i64: 2, 16>, scalar_prefetch = 0 : i64, scratch_operands = 3 : i64, tpu.core_type = #tpu.core_type<sc_vector_subcore>, window_params = [{transform_indices = #map}, {transform_indices = #map1}, {transform_indices = #map}]} {
    %mul3A = arith.constant 2 : i32
    %mul3A_0 = arith.muli %arg1, %mul3A : i32
    %add3A = arith.addi %mul3A_0, %arg0 : i32
    %mul3A_1 = arith.constant 160 : i32
    %mul3A_2 = arith.muli %add3A, %mul3A_1 : i32
    "tpu.region"() ({
      %run_scoped3A = tpu.sem_alloc : memref<!tpu.dma_semaphore, #tpu.memory_space<semaphore_mem>>
      %dma_start3A_41 = arith.constant 0 : i32
      %dma_start3A_42 = arith.constant 0 : i32
      %dma_start3A_43 = tpu.memref_slice %arg3[%add3A, %dma_start3A_41, %dma_start3A_42] : memref<32x2x80xi32, #tpu.memory_space<hbm>> -> memref<1x2x80xi32, #tpu.memory_space<hbm>>
      %dma_start3A_44 = tpu.memref_squeeze %dma_start3A_43 : memref<1x2x80xi32, #tpu.memory_space<hbm>> -> memref<2x80xi32, #tpu.memory_space<hbm>>
      %dma_start3A_45 = arith.constant 0 : i32
      %dma_start3A_46 = arith.constant 0 : i32
      %dma_start3A_47 = tpu.memref_slice %arg3[%add3A, %dma_start3A_45, %dma_start3A_46] : memref<32x2x80xi32, #tpu.memory_space<hbm>> -> memref<1x2x80xi32, #tpu.memory_space<hbm>>
      %dma_start3A_48 = tpu.memref_squeeze %dma_start3A_47 : memref<1x2x80xi32, #tpu.memory_space<hbm>> -> memref<2x80xi32, #tpu.memory_space<hbm>>
      tpu.enqueue_dma source(%dma_start3A_48 : memref<2x80xi32, #tpu.memory_space<hbm>>) target(%arg5 : memref<2x80xi32, #tpu.memory_space<vmem>>) target_semaphore(%run_scoped3A : memref<!tpu.dma_semaphore, #tpu.memory_space<semaphore_mem>>)
      %dma_wait3A_49 = arith.constant 0 : i32
      %dma_wait3A_50 = arith.constant 0 : i32
      %dma_wait3A_51 = tpu.memref_slice %arg3[%add3A, %dma_wait3A_49, %dma_wait3A_50] : memref<32x2x80xi32, #tpu.memory_space<hbm>> -> memref<1x2x80xi32, #tpu.memory_space<hbm>>
      %dma_wait3A_52 = tpu.memref_squeeze %dma_wait3A_51 : memref<1x2x80xi32, #tpu.memory_space<hbm>> -> memref<2x80xi32, #tpu.memory_space<hbm>>
      %dma_wait3A_53 = arith.constant 0 : i32
      %dma_wait3A_54 = arith.constant 0 : i32
      %dma_wait3A_55 = tpu.memref_slice %arg3[%add3A, %dma_wait3A_53, %dma_wait3A_54] : memref<32x2x80xi32, #tpu.memory_space<hbm>> -> memref<1x2x80xi32, #tpu.memory_space<hbm>>
      %dma_wait3A_56 = tpu.memref_squeeze %dma_wait3A_55 : memref<1x2x80xi32, #tpu.memory_space<hbm>> -> memref<2x80xi32, #tpu.memory_space<hbm>>
      tpu.wait_dma2 semaphore(%run_scoped3A : memref<!tpu.dma_semaphore, #tpu.memory_space<semaphore_mem>>) src(%dma_wait3A_56 : memref<2x80xi32, #tpu.memory_space<hbm>>) dst(%arg5 : memref<2x80xi32, #tpu.memory_space<vmem>>)
      tpu.yield
    }) : () -> ()
    "tpu.region"() ({
      %run_scoped3A = tpu.sem_alloc : memref<!tpu.dma_semaphore, #tpu.memory_space<semaphore_mem>>
      %dma_start3A_41 = arith.constant 0 : i32
      %dma_start3A_42 = tpu.memref_slice %arg2[%mul3A_2, %dma_start3A_41] : memref<5120x128xf32, #tpu.memory_space<hbm>> -> memref<160x128xf32, #tpu.memory_space<hbm>>
      %dma_start3A_43 = arith.constant 0 : i32
      %dma_start3A_44 = tpu.memref_slice %arg2[%mul3A_2, %dma_start3A_43] : memref<5120x128xf32, #tpu.memory_space<hbm>> -> memref<160x128xf32, #tpu.memory_space<hbm>>
      tpu.enqueue_dma source(%dma_start3A_44 : memref<160x128xf32, #tpu.memory_space<hbm>>) target(%arg6 : memref<160x128xf32, #tpu.memory_space<vmem>>) target_semaphore(%run_scoped3A : memref<!tpu.dma_semaphore, #tpu.memory_space<semaphore_mem>>)
      %dma_wait3A_45 = arith.constant 0 : i32
      %dma_wait3A_46 = tpu.memref_slice %arg2[%mul3A_2, %dma_wait3A_45] : memref<5120x128xf32, #tpu.memory_space<hbm>> -> memref<160x128xf32, #tpu.memory_space<hbm>>
      %dma_wait3A_47 = arith.constant 0 : i32
      %dma_wait3A_48 = tpu.memref_slice %arg2[%mul3A_2, %dma_wait3A_47] : memref<5120x128xf32, #tpu.memory_space<hbm>> -> memref<160x128xf32, #tpu.memory_space<hbm>>
      tpu.wait_dma2 semaphore(%run_scoped3A : memref<!tpu.dma_semaphore, #tpu.memory_space<semaphore_mem>>) src(%dma_wait3A_48 : memref<160x128xf32, #tpu.memory_space<hbm>>) dst(%arg6 : memref<160x128xf32, #tpu.memory_space<vmem>>)
      tpu.yield
    }) : () -> ()
    %dma_start3A = arith.constant 0 : i32
    %dma_start3A_3 = arith.constant 0 : i32
    %dma_start3A_4 = arith.constant 0 : i32
    %dma_start3A_5 = tpu.memref_slice %arg6[%dma_start3A_3, %dma_start3A_4] : memref<160x128xf32, #tpu.memory_space<vmem>> -> memref<80x128xf32, #tpu.memory_space<vmem>>
    %dma_start3A_6 = arith.constant 0 : i32
    %dma_start3A_7 = tpu.memref_slice %arg5[%dma_start3A, %dma_start3A_6] : memref<2x80xi32, #tpu.memory_space<vmem>> -> memref<1x80xi32, #tpu.memory_space<vmem>>
    %dma_start3A_8 = tpu.memref_squeeze %dma_start3A_7 : memref<1x80xi32, #tpu.memory_space<vmem>> -> memref<80xi32, #tpu.memory_space<vmem>>
    %dma_start3A_9 = arith.constant 0 : i32
    %dma_start3A_10 = arith.constant 0 : i32
    %dma_start3A_11 = tpu.memref_slice %arg4[%dma_start3A_9, %dma_start3A_10] : memref<5120x128xf32, #tpu.memory_space<hbm>> -> memref<5120x128xf32, #tpu.memory_space<hbm>>
    tpu.enqueue_indirect_dma source(%dma_start3A_5 : memref<80x128xf32, #tpu.memory_space<vmem>>) target(%dma_start3A_11 : memref<5120x128xf32, #tpu.memory_space<hbm>>) offsets(%dma_start3A_8 : memref<80xi32, #tpu.memory_space<vmem>>) semaphore(%arg7 : memref<!tpu.dma_semaphore, #tpu.memory_space<semaphore_mem>>)
    %dma_wait3A = arith.constant 0 : i32
    %dma_wait3A_12 = arith.constant 0 : i32
    %dma_wait3A_13 = arith.constant 0 : i32
    %dma_wait3A_14 = tpu.memref_slice %arg6[%dma_wait3A_12, %dma_wait3A_13] : memref<160x128xf32, #tpu.memory_space<vmem>> -> memref<80x128xf32, #tpu.memory_space<vmem>>
    %dma_wait3A_15 = arith.constant 0 : i32
    %dma_wait3A_16 = tpu.memref_slice %arg5[%dma_wait3A, %dma_wait3A_15] : memref<2x80xi32, #tpu.memory_space<vmem>> -> memref<1x80xi32, #tpu.memory_space<vmem>>
    %dma_wait3A_17 = tpu.memref_squeeze %dma_wait3A_16 : memref<1x80xi32, #tpu.memory_space<vmem>> -> memref<80xi32, #tpu.memory_space<vmem>>
    %dma_wait3A_18 = arith.constant 0 : i32
    %dma_wait3A_19 = arith.constant 0 : i32
    %dma_wait3A_20 = tpu.memref_slice %arg4[%dma_wait3A_18, %dma_wait3A_19] : memref<5120x128xf32, #tpu.memory_space<hbm>> -> memref<5120x128xf32, #tpu.memory_space<hbm>>
    tpu.wait_indirect_dma semaphore(%arg7 : memref<!tpu.dma_semaphore, #tpu.memory_space<semaphore_mem>>) src(%dma_wait3A_14 : memref<80x128xf32, #tpu.memory_space<vmem>>) dst(%dma_wait3A_20 : memref<5120x128xf32, #tpu.memory_space<hbm>>)
    %dma_start3A_21 = arith.constant 1 : i32
    %dma_start3A_22 = arith.constant 80 : i32
    %dma_start3A_23 = arith.constant 0 : i32
    %dma_start3A_24 = tpu.memref_slice %arg6[%dma_start3A_22, %dma_start3A_23] : memref<160x128xf32, #tpu.memory_space<vmem>> -> memref<80x128xf32, #tpu.memory_space<vmem>>
    %dma_start3A_25 = arith.constant 0 : i32
    %dma_start3A_26 = tpu.memref_slice %arg5[%dma_start3A_21, %dma_start3A_25] : memref<2x80xi32, #tpu.memory_space<vmem>> -> memref<1x80xi32, #tpu.memory_space<vmem>>
    %dma_start3A_27 = tpu.memref_squeeze %dma_start3A_26 : memref<1x80xi32, #tpu.memory_space<vmem>> -> memref<80xi32, #tpu.memory_space<vmem>>
    %dma_start3A_28 = arith.constant 0 : i32
    %dma_start3A_29 = arith.constant 0 : i32
    %dma_start3A_30 = tpu.memref_slice %arg4[%dma_start3A_28, %dma_start3A_29] : memref<5120x128xf32, #tpu.memory_space<hbm>> -> memref<5120x128xf32, #tpu.memory_space<hbm>>
    tpu.enqueue_indirect_dma source(%dma_start3A_24 : memref<80x128xf32, #tpu.memory_space<vmem>>) target(%dma_start3A_30 : memref<5120x128xf32, #tpu.memory_space<hbm>>) offsets(%dma_start3A_27 : memref<80xi32, #tpu.memory_space<vmem>>) semaphore(%arg7 : memref<!tpu.dma_semaphore, #tpu.memory_space<semaphore_mem>>)
    %dma_wait3A_31 = arith.constant 1 : i32
    %dma_wait3A_32 = arith.constant 80 : i32
    %dma_wait3A_33 = arith.constant 0 : i32
    %dma_wait3A_34 = tpu.memref_slice %arg6[%dma_wait3A_32, %dma_wait3A_33] : memref<160x128xf32, #tpu.memory_space<vmem>> -> memref<80x128xf32, #tpu.memory_space<vmem>>
    %dma_wait3A_35 = arith.constant 0 : i32
    %dma_wait3A_36 = tpu.memref_slice %arg5[%dma_wait3A_31, %dma_wait3A_35] : memref<2x80xi32, #tpu.memory_space<vmem>> -> memref<1x80xi32, #tpu.memory_space<vmem>>
    %dma_wait3A_37 = tpu.memref_squeeze %dma_wait3A_36 : memref<1x80xi32, #tpu.memory_space<vmem>> -> memref<80xi32, #tpu.memory_space<vmem>>
    %dma_wait3A_38 = arith.constant 0 : i32
    %dma_wait3A_39 = arith.constant 0 : i32
    %dma_wait3A_40 = tpu.memref_slice %arg4[%dma_wait3A_38, %dma_wait3A_39] : memref<5120x128xf32, #tpu.memory_space<hbm>> -> memref<5120x128xf32, #tpu.memory_space<hbm>>
    tpu.wait_indirect_dma semaphore(%arg7 : memref<!tpu.dma_semaphore, #tpu.memory_space<semaphore_mem>>) src(%dma_wait3A_34 : memref<80x128xf32, #tpu.memory_space<vmem>>) dst(%dma_wait3A_40 : memref<5120x128xf32, #tpu.memory_space<hbm>>)
    return
  }
}

module attributes {stable_mosaic.version = 14 : i64} {
  func.func @_rank_permute_kernel(%arg0: i32, %arg1: memref<5120x1xf32, #tpu.memory_space<vmem>>, %arg2: memref<1x512xf32, #tpu.memory_space<vmem>>, %arg3: memref<512x4xf32, #tpu.memory_space<vmem>>, %arg4: memref<512x1xf32, #tpu.memory_space<vmem>>, %arg5: memref<512x1xf32, #tpu.memory_space<vmem>>, %arg6: memref<1x512xf32, #tpu.memory_space<vmem>>, %arg7: memref<512x128xf32, #tpu.memory_space<vmem>>) attributes {dimension_semantics = [#tpu.dimension_semantics<arbitrary>], iteration_bounds = array<i64: 10>, scalar_prefetch = 0 : i64, scratch_operands = 0 : i64, tpu.core_type = #tpu.core_type<tc>, window_params = [{pipeline_mode = #tpu.pipeline_mode<synchronous>, transform_indices = @transform_0, window_bounds = array<i64: 5120, 1>}, {transform_indices = @transform_1, window_bounds = array<i64: 1, 512>}, {transform_indices = @transform_2, window_bounds = array<i64: 512, 4>}, {transform_indices = @transform_3, window_bounds = array<i64: 512, 1>}, {transform_indices = @transform_4, window_bounds = array<i64: 512, 1>}, {transform_indices = @transform_5, window_bounds = array<i64: 1, 512>}, {transform_indices = @transform_6, window_bounds = array<i64: 512, 128>}]} {
    %get3A = arith.constant 0 : index
    %get3A_0 = arith.constant 0 : index
    %get3A_1 = vector.load %arg1[%get3A, %get3A_0] : memref<5120x1xf32, #tpu.memory_space<vmem>>, vector<5120x1xf32>
    %get3A_2 = arith.constant 0 : index
    %get3A_3 = arith.constant 0 : index
    %get3A_4 = vector.load %arg2[%get3A_2, %get3A_3] : memref<1x512xf32, #tpu.memory_space<vmem>>, vector<1x512xf32>
    %iota3A = tpu.iota {dimensions = array<i32: 0>} : vector<5120x512xi32>
    %iota3A_5 = tpu.iota {dimensions = array<i32: 1>} : vector<5120x512xi32>
    %mul3A = arith.constant 512 : i32
    %mul3A_6 = arith.muli %arg0, %mul3A : i32
    %add3A = vector.broadcast %mul3A_6 : i32 to vector<5120x512xi32>
    %add3A_7 = arith.addi %iota3A_5, %add3A : vector<5120x512xi32>
    %gt3A = vector.broadcast %get3A_1 : vector<5120x1xf32> to vector<5120x512xf32>
    %gt3A_8 = vector.broadcast %get3A_4 : vector<1x512xf32> to vector<5120x512xf32>
    %gt3A_9 = arith.cmpf ogt, %gt3A, %gt3A_8 : vector<5120x512xf32>
    %eq3A = vector.broadcast %get3A_1 : vector<5120x1xf32> to vector<5120x512xf32>
    %eq3A_10 = vector.broadcast %get3A_4 : vector<1x512xf32> to vector<5120x512xf32>
    %eq3A_11 = arith.cmpf oeq, %eq3A, %eq3A_10 : vector<5120x512xf32>
    %lt3A = arith.cmpi slt, %iota3A, %add3A_7 : vector<5120x512xi32>
    %and3A = arith.andi %eq3A_11, %lt3A : vector<5120x512xi1>
    %or3A = arith.ori %gt3A_9, %and3A : vector<5120x512xi1>
    %convert_element_type3A = arith.extui %or3A : vector<5120x512xi1> to vector<5120x512xi32>
    %convert_element_type3A_12 = arith.sitofp %convert_element_type3A : vector<5120x512xi32> to vector<5120x512xf32>
    %convert_element_type3A_13 = arith.truncf %convert_element_type3A_12 : vector<5120x512xf32> to vector<5120x512xbf16>
    %broadcast_in_dim3A = arith.constant 1.000000e+00 : bf16
    %broadcast_in_dim3A_14 = vector.broadcast %broadcast_in_dim3A : bf16 to vector<1x5120xbf16>
    %dot_general3A = arith.constant dense<0.000000e+00> : vector<1x512xf32>
    %dot_general3A_15 = tpu.matmul %broadcast_in_dim3A_14, %convert_element_type3A_13, %dot_general3A {dimension_numbers = #tpu.dot_dimension_numbers<[1], [0], [0], [1], [0, 0, 1, 1], [], []>, transpose_lhs_hint = false} : vector<1x5120xbf16>, vector<5120x512xbf16>, vector<1x512xf32> -> vector<1x512xf32>
    %swap3A = arith.constant 0 : index
    %swap3A_16 = arith.constant 0 : index
    %swap3A_17 = vector.load %arg6[%swap3A, %swap3A_16] : memref<1x512xf32, #tpu.memory_space<vmem>>, vector<1x512xf32>
    tpu.vector_store %arg6[%swap3A, %swap3A_16], %dot_general3A_15 {strides = array<i32>} : memref<1x512xf32, #tpu.memory_space<vmem>>, vector<1x512xf32>,
    %get3A_18 = arith.constant 0 : index
    %get3A_19 = arith.constant 0 : index
    %get3A_20 = vector.load %arg3[%get3A_18, %get3A_19] : memref<512x4xf32, #tpu.memory_space<vmem>>, vector<512x4xf32>
    %slice3A = vector.extract_strided_slice %get3A_20 {offsets = [0, 0], sizes = [512, 1], strides = [1, 1]} : vector<512x4xf32> to vector<512x1xf32>
    %slice3A_21 = vector.extract_strided_slice %get3A_20 {offsets = [0, 1], sizes = [512, 1], strides = [1, 1]} : vector<512x4xf32> to vector<512x1xf32>
    %slice3A_22 = vector.extract_strided_slice %get3A_20 {offsets = [0, 2], sizes = [512, 1], strides = [1, 1]} : vector<512x4xf32> to vector<512x1xf32>
    %abs3A = math.absf %slice3A_22 : vector<512x1xf32>
    %slice3A_23 = vector.extract_strided_slice %get3A_20 {offsets = [0, 3], sizes = [512, 1], strides = [1, 1]} : vector<512x4xf32> to vector<512x1xf32>
    %abs3A_24 = math.absf %slice3A_23 : vector<512x1xf32>
    %div3A = arith.constant 2.000000e+00 : f32
    %div3A_25 = vector.broadcast %div3A : f32 to vector<512x1xf32>
    %div3A_26 = arith.divf %abs3A, %div3A_25 : vector<512x1xf32>
    %sub3A = arith.subf %slice3A, %div3A_26 : vector<512x1xf32>
    %div3A_27 = arith.constant 2.000000e+00 : f32
    %div3A_28 = vector.broadcast %div3A_27 : f32 to vector<512x1xf32>
    %div3A_29 = arith.divf %abs3A_24, %div3A_28 : vector<512x1xf32>
    %sub3A_30 = arith.subf %slice3A_21, %div3A_29 : vector<512x1xf32>
    %div3A_31 = arith.constant 2.000000e+00 : f32
    %div3A_32 = vector.broadcast %div3A_31 : f32 to vector<512x1xf32>
    %div3A_33 = arith.divf %abs3A, %div3A_32 : vector<512x1xf32>
    %add3A_34 = arith.addf %slice3A, %div3A_33 : vector<512x1xf32>
    %div3A_35 = arith.constant 2.000000e+00 : f32
    %div3A_36 = vector.broadcast %div3A_35 : f32 to vector<512x1xf32>
    %div3A_37 = arith.divf %abs3A_24, %div3A_36 : vector<512x1xf32>
    %add3A_38 = arith.addf %slice3A_21, %div3A_37 : vector<512x1xf32>
    %mul3A_39 = arith.mulf %abs3A, %abs3A_24 : vector<512x1xf32>
    %get3A_40 = arith.constant 0 : index
    %get3A_41 = arith.constant 0 : index
    %get3A_42 = vector.load %arg4[%get3A_40, %get3A_41] : memref<512x1xf32, #tpu.memory_space<vmem>>, vector<512x1xf32>
    %get3A_43 = arith.constant 0 : index
    %get3A_44 = arith.constant 0 : index
    %get3A_45 = vector.load %arg5[%get3A_43, %get3A_44] : memref<512x1xf32, #tpu.memory_space<vmem>>, vector<512x1xf32>
    %broadcast_in_dim3A_46 = arith.constant 0.000000e+00 : f32
    %broadcast_in_dim3A_47 = vector.broadcast %broadcast_in_dim3A_46 : f32 to vector<512x117xf32>
    %concatenate3A = tpu.concatenate %sub3A, %sub3A_30, %add3A_34, %add3A_38, %mul3A_39, %get3A_42, %get3A_20, %get3A_45, %broadcast_in_dim3A_47 in 1 : vector<512x1xf32>, vector<512x1xf32>, vector<512x1xf32>, vector<512x1xf32>, vector<512x1xf32>, vector<512x1xf32>, vector<512x4xf32>, vector<512x1xf32>, vector<512x117xf32> -> vector<512x128xf32>
    %swap3A_48 = arith.constant 0 : index
    %swap3A_49 = arith.constant 0 : index
    %swap3A_50 = vector.load %arg7[%swap3A_48, %swap3A_49] : memref<512x128xf32, #tpu.memory_space<vmem>>, vector<512x128xf32>
    tpu.vector_store %arg7[%swap3A_48, %swap3A_49], %concatenate3A {strides = array<i32>} : memref<512x128xf32, #tpu.memory_space<vmem>>, vector<512x128xf32>,
    return
  }
  func.func @transform_0(%arg0: i32) -> (i32, i32) {
    %c0_i32 = arith.constant 0 : i32
    %c0_i32_0 = arith.constant 0 : i32
    %c0_i32_1 = arith.constant 0 : i32
    return %c0_i32, %c0_i32_0 : i32, i32
  }
  func.func @transform_1(%arg0: i32) -> (i32, i32) {
    %c0_i32 = arith.constant 0 : i32
    %c0_i32_0 = arith.constant 0 : i32
    return %c0_i32, %arg0 : i32, i32
  }
  func.func @transform_2(%arg0: i32) -> (i32, i32) {
    %c0_i32 = arith.constant 0 : i32
    %c0_i32_0 = arith.constant 0 : i32
    return %arg0, %c0_i32 : i32, i32
  }
  func.func @transform_3(%arg0: i32) -> (i32, i32) {
    %c0_i32 = arith.constant 0 : i32
    %c0_i32_0 = arith.constant 0 : i32
    return %arg0, %c0_i32 : i32, i32
  }
  func.func @transform_4(%arg0: i32) -> (i32, i32) {
    %c0_i32 = arith.constant 0 : i32
    %c0_i32_0 = arith.constant 0 : i32
    return %arg0, %c0_i32 : i32, i32
  }
  func.func @transform_5(%arg0: i32) -> (i32, i32) {
    %c0_i32 = arith.constant 0 : i32
    %c0_i32_0 = arith.constant 0 : i32
    return %c0_i32, %arg0 : i32, i32
  }
  func.func @transform_6(%arg0: i32) -> (i32, i32) {
    %c0_i32 = arith.constant 0 : i32
    %c0_i32_0 = arith.constant 0 : i32
    return %arg0, %c0_i32 : i32, i32
  }
}

module attributes {stable_mosaic.version = 14 : i64} {
  func.func @_nms_kernel(%arg0: i32, %arg1: memref<256x128xf32, #tpu.memory_space<vmem>>, %arg2: memref<128x5120xf32, #tpu.memory_space<vmem>>, %arg3: memref<128x256xf32, #tpu.memory_space<vmem>>, %arg4: memref<1x5120xf32, #tpu.memory_space<vmem>>, %arg5: memref<256x1xf32, #tpu.memory_space<vmem>>) attributes {dimension_semantics = [#tpu.dimension_semantics<arbitrary>], iteration_bounds = array<i64: 20>, scalar_prefetch = 0 : i64, scratch_operands = 0 : i64, tpu.core_type = #tpu.core_type<tc>, window_params = [{transform_indices = @transform_0, window_bounds = array<i64: 256, 128>}, {pipeline_mode = #tpu.pipeline_mode<synchronous>, transform_indices = @transform_1, window_bounds = array<i64: 128, 5120>}, {transform_indices = @transform_2, window_bounds = array<i64: 128, 256>}, {pipeline_mode = #tpu.pipeline_mode<synchronous>, transform_indices = @transform_3, window_bounds = array<i64: 1, 5120>}, {transform_indices = @transform_4, window_bounds = array<i64: 256, 1>}]} {
    %eq3A = arith.constant 0 : i32
    %eq3A_0 = arith.cmpi eq, %arg0, %eq3A : i32
    %convert_element_type3A = arith.extui %eq3A_0 : i1 to i32
    %cond3A = arith.constant 0 : i32
    %cond3A_1 = arith.cmpi ne, %convert_element_type3A, %cond3A : i32
    scf.if %cond3A_1 {
      %broadcast_in_dim3A = arith.constant 1.000000e+00 : f32
      %broadcast_in_dim3A_139 = vector.broadcast %broadcast_in_dim3A : f32 to vector<1x5120xf32>
      %swap3A_140 = arith.constant 0 : index
      %swap3A_141 = arith.constant 0 : index
      %swap3A_142 = vector.load %arg4[%swap3A_140, %swap3A_141] : memref<1x5120xf32, #tpu.memory_space<vmem>>, vector<1x5120xf32>
      tpu.vector_store %arg4[%swap3A_140, %swap3A_141], %broadcast_in_dim3A_139 {strides = array<i32>} : memref<1x5120xf32, #tpu.memory_space<vmem>>, vector<1x5120xf32>,
    } else {
    }
    %get3A = arith.constant 0 : index
    %get3A_2 = arith.constant 0 : index
    %get3A_3 = vector.load %arg1[%get3A, %get3A_2] : memref<256x128xf32, #tpu.memory_space<vmem>>, vector<256x128xf32>
    %slice3A = vector.extract_strided_slice %get3A_3 {offsets = [0, 0], sizes = [256, 1], strides = [1, 1]} : vector<256x128xf32> to vector<256x1xf32>
    %slice3A_4 = vector.extract_strided_slice %get3A_3 {offsets = [0, 1], sizes = [256, 1], strides = [1, 1]} : vector<256x128xf32> to vector<256x1xf32>
    %slice3A_5 = vector.extract_strided_slice %get3A_3 {offsets = [0, 2], sizes = [256, 1], strides = [1, 1]} : vector<256x128xf32> to vector<256x1xf32>
    %slice3A_6 = vector.extract_strided_slice %get3A_3 {offsets = [0, 3], sizes = [256, 1], strides = [1, 1]} : vector<256x128xf32> to vector<256x1xf32>
    %slice3A_7 = vector.extract_strided_slice %get3A_3 {offsets = [0, 4], sizes = [256, 1], strides = [1, 1]} : vector<256x128xf32> to vector<256x1xf32>
    %slice3A_8 = vector.extract_strided_slice %get3A_3 {offsets = [0, 5], sizes = [256, 1], strides = [1, 1]} : vector<256x128xf32> to vector<256x1xf32>
    %get3A_9 = arith.constant 0 : index
    %get3A_10 = arith.constant 0 : index
    %get3A_11 = vector.load %arg2[%get3A_9, %get3A_10] : memref<128x5120xf32, #tpu.memory_space<vmem>>, vector<128x5120xf32>
    %slice3A_12 = vector.extract_strided_slice %get3A_11 {offsets = [0, 0], sizes = [1, 5120], strides = [1, 1]} : vector<128x5120xf32> to vector<1x5120xf32>
    %slice3A_13 = vector.extract_strided_slice %get3A_11 {offsets = [1, 0], sizes = [1, 5120], strides = [1, 1]} : vector<128x5120xf32> to vector<1x5120xf32>
    %slice3A_14 = vector.extract_strided_slice %get3A_11 {offsets = [2, 0], sizes = [1, 5120], strides = [1, 1]} : vector<128x5120xf32> to vector<1x5120xf32>
    %slice3A_15 = vector.extract_strided_slice %get3A_11 {offsets = [3, 0], sizes = [1, 5120], strides = [1, 1]} : vector<128x5120xf32> to vector<1x5120xf32>
    %slice3A_16 = vector.extract_strided_slice %get3A_11 {offsets = [4, 0], sizes = [1, 5120], strides = [1, 1]} : vector<128x5120xf32> to vector<1x5120xf32>
    %slice3A_17 = vector.extract_strided_slice %get3A_11 {offsets = [5, 0], sizes = [1, 5120], strides = [1, 1]} : vector<128x5120xf32> to vector<1x5120xf32>
    %max3A = vector.broadcast %slice3A : vector<256x1xf32> to vector<256x5120xf32>
    %max3A_18 = vector.broadcast %slice3A_12 : vector<1x5120xf32> to vector<256x5120xf32>
    %max3A_19 = arith.maximumf %max3A, %max3A_18 : vector<256x5120xf32>
    %max3A_20 = vector.broadcast %slice3A_4 : vector<256x1xf32> to vector<256x5120xf32>
    %max3A_21 = vector.broadcast %slice3A_13 : vector<1x5120xf32> to vector<256x5120xf32>
    %max3A_22 = arith.maximumf %max3A_20, %max3A_21 : vector<256x5120xf32>
    %min3A = vector.broadcast %slice3A_5 : vector<256x1xf32> to vector<256x5120xf32>
    %min3A_23 = vector.broadcast %slice3A_14 : vector<1x5120xf32> to vector<256x5120xf32>
    %min3A_24 = arith.minimumf %min3A, %min3A_23 : vector<256x5120xf32>
    %min3A_25 = vector.broadcast %slice3A_6 : vector<256x1xf32> to vector<256x5120xf32>
    %min3A_26 = vector.broadcast %slice3A_15 : vector<1x5120xf32> to vector<256x5120xf32>
    %min3A_27 = arith.minimumf %min3A_25, %min3A_26 : vector<256x5120xf32>
    %sub3A = arith.subf %min3A_24, %max3A_19 : vector<256x5120xf32>
    %max3A_28 = arith.constant 0.000000e+00 : f32
    %max3A_29 = vector.broadcast %max3A_28 : f32 to vector<256x5120xf32>
    %max3A_30 = arith.maximumf %sub3A, %max3A_29 : vector<256x5120xf32>
    %sub3A_31 = arith.subf %min3A_27, %max3A_22 : vector<256x5120xf32>
    %max3A_32 = arith.constant 0.000000e+00 : f32
    %max3A_33 = vector.broadcast %max3A_32 : f32 to vector<256x5120xf32>
    %max3A_34 = arith.maximumf %sub3A_31, %max3A_33 : vector<256x5120xf32>
    %mul3A = arith.mulf %max3A_30, %max3A_34 : vector<256x5120xf32>
    %add3A = vector.broadcast %slice3A_7 : vector<256x1xf32> to vector<256x5120xf32>
    %add3A_35 = vector.broadcast %slice3A_16 : vector<1x5120xf32> to vector<256x5120xf32>
    %add3A_36 = arith.addf %add3A, %add3A_35 : vector<256x5120xf32>
    %sub3A_37 = arith.subf %add3A_36, %mul3A : vector<256x5120xf32>
    %max3A_38 = arith.constant 9.99999971E-10 : f32
    %max3A_39 = vector.broadcast %max3A_38 : f32 to vector<256x5120xf32>
    %max3A_40 = arith.maximumf %sub3A_37, %max3A_39 : vector<256x5120xf32>
    %div3A = arith.divf %mul3A, %max3A_40 : vector<256x5120xf32>
    %gt3A = arith.constant 5.000000e-01 : f32
    %gt3A_41 = vector.broadcast %gt3A : f32 to vector<256x5120xf32>
    %gt3A_42 = arith.cmpf ogt, %div3A, %gt3A_41 : vector<256x5120xf32>
    %eq3A_43 = vector.broadcast %slice3A_8 : vector<256x1xf32> to vector<256x5120xf32>
    %eq3A_44 = vector.broadcast %slice3A_17 : vector<1x5120xf32> to vector<256x5120xf32>
    %eq3A_45 = arith.cmpf oeq, %eq3A_43, %eq3A_44 : vector<256x5120xf32>
    %and3A = arith.andi %gt3A_42, %eq3A_45 : vector<256x5120xi1>
    %convert_element_type3A_46 = arith.extui %and3A : vector<256x5120xi1> to vector<256x5120xi32>
    %convert_element_type3A_47 = arith.sitofp %convert_element_type3A_46 : vector<256x5120xi32> to vector<256x5120xf32>
    %get3A_48 = arith.constant 0 : index
    %get3A_49 = arith.constant 0 : index
    %get3A_50 = vector.load %arg3[%get3A_48, %get3A_49] : memref<128x256xf32, #tpu.memory_space<vmem>>, vector<128x256xf32>
    %slice3A_51 = vector.extract_strided_slice %get3A_50 {offsets = [0, 0], sizes = [1, 256], strides = [1, 1]} : vector<128x256xf32> to vector<1x256xf32>
    %slice3A_52 = vector.extract_strided_slice %get3A_50 {offsets = [1, 0], sizes = [1, 256], strides = [1, 1]} : vector<128x256xf32> to vector<1x256xf32>
    %slice3A_53 = vector.extract_strided_slice %get3A_50 {offsets = [2, 0], sizes = [1, 256], strides = [1, 1]} : vector<128x256xf32> to vector<1x256xf32>
    %slice3A_54 = vector.extract_strided_slice %get3A_50 {offsets = [3, 0], sizes = [1, 256], strides = [1, 1]} : vector<128x256xf32> to vector<1x256xf32>
    %slice3A_55 = vector.extract_strided_slice %get3A_50 {offsets = [4, 0], sizes = [1, 256], strides = [1, 1]} : vector<128x256xf32> to vector<1x256xf32>
    %slice3A_56 = vector.extract_strided_slice %get3A_50 {offsets = [5, 0], sizes = [1, 256], strides = [1, 1]} : vector<128x256xf32> to vector<1x256xf32>
    %max3A_57 = vector.broadcast %slice3A : vector<256x1xf32> to vector<256x256xf32>
    %max3A_58 = vector.broadcast %slice3A_51 : vector<1x256xf32> to vector<256x256xf32>
    %max3A_59 = arith.maximumf %max3A_57, %max3A_58 : vector<256x256xf32>
    %max3A_60 = vector.broadcast %slice3A_4 : vector<256x1xf32> to vector<256x256xf32>
    %max3A_61 = vector.broadcast %slice3A_52 : vector<1x256xf32> to vector<256x256xf32>
    %max3A_62 = arith.maximumf %max3A_60, %max3A_61 : vector<256x256xf32>
    %min3A_63 = vector.broadcast %slice3A_5 : vector<256x1xf32> to vector<256x256xf32>
    %min3A_64 = vector.broadcast %slice3A_53 : vector<1x256xf32> to vector<256x256xf32>
    %min3A_65 = arith.minimumf %min3A_63, %min3A_64 : vector<256x256xf32>
    %min3A_66 = vector.broadcast %slice3A_6 : vector<256x1xf32> to vector<256x256xf32>
    %min3A_67 = vector.broadcast %slice3A_54 : vector<1x256xf32> to vector<256x256xf32>
    %min3A_68 = arith.minimumf %min3A_66, %min3A_67 : vector<256x256xf32>
    %sub3A_69 = arith.subf %min3A_65, %max3A_59 : vector<256x256xf32>
    %max3A_70 = arith.constant 0.000000e+00 : f32
    %max3A_71 = vector.broadcast %max3A_70 : f32 to vector<256x256xf32>
    %max3A_72 = arith.maximumf %sub3A_69, %max3A_71 : vector<256x256xf32>
    %sub3A_73 = arith.subf %min3A_68, %max3A_62 : vector<256x256xf32>
    %max3A_74 = arith.constant 0.000000e+00 : f32
    %max3A_75 = vector.broadcast %max3A_74 : f32 to vector<256x256xf32>
    %max3A_76 = arith.maximumf %sub3A_73, %max3A_75 : vector<256x256xf32>
    %mul3A_77 = arith.mulf %max3A_72, %max3A_76 : vector<256x256xf32>
    %add3A_78 = vector.broadcast %slice3A_7 : vector<256x1xf32> to vector<256x256xf32>
    %add3A_79 = vector.broadcast %slice3A_55 : vector<1x256xf32> to vector<256x256xf32>
    %add3A_80 = arith.addf %add3A_78, %add3A_79 : vector<256x256xf32>
    %sub3A_81 = arith.subf %add3A_80, %mul3A_77 : vector<256x256xf32>
    %max3A_82 = arith.constant 9.99999971E-10 : f32
    %max3A_83 = vector.broadcast %max3A_82 : f32 to vector<256x256xf32>
    %max3A_84 = arith.maximumf %sub3A_81, %max3A_83 : vector<256x256xf32>
    %div3A_85 = arith.divf %mul3A_77, %max3A_84 : vector<256x256xf32>
    %gt3A_86 = arith.constant 5.000000e-01 : f32
    %gt3A_87 = vector.broadcast %gt3A_86 : f32 to vector<256x256xf32>
    %gt3A_88 = arith.cmpf ogt, %div3A_85, %gt3A_87 : vector<256x256xf32>
    %eq3A_89 = vector.broadcast %slice3A_8 : vector<256x1xf32> to vector<256x256xf32>
    %eq3A_90 = vector.broadcast %slice3A_56 : vector<1x256xf32> to vector<256x256xf32>
    %eq3A_91 = arith.cmpf oeq, %eq3A_89, %eq3A_90 : vector<256x256xf32>
    %and3A_92 = arith.andi %gt3A_88, %eq3A_91 : vector<256x256xi1>
    %convert_element_type3A_93 = arith.extui %and3A_92 : vector<256x256xi1> to vector<256x256xi32>
    %convert_element_type3A_94 = arith.sitofp %convert_element_type3A_93 : vector<256x256xi32> to vector<256x256xf32>
    %iota3A = tpu.iota {dimensions = array<i32: 0>} : vector<256x256xi32>
    %iota3A_95 = tpu.iota {dimensions = array<i32: 1>} : vector<256x256xi32>
    %lt3A = arith.cmpi slt, %iota3A, %iota3A_95 : vector<256x256xi32>
    %convert_element_type3A_96 = arith.extui %lt3A : vector<256x256xi1> to vector<256x256xi32>
    %convert_element_type3A_97 = arith.sitofp %convert_element_type3A_96 : vector<256x256xi32> to vector<256x256xf32>
    %mul3A_98 = arith.mulf %convert_element_type3A_94, %convert_element_type3A_97 : vector<256x256xf32>
    %get3A_99 = arith.constant 0 : index
    %get3A_100 = arith.constant 0 : index
    %get3A_101 = vector.load %arg4[%get3A_99, %get3A_100] : memref<1x5120xf32, #tpu.memory_space<vmem>>, vector<1x5120xf32>
    %mul3A_102 = arith.constant 256 : i32
    %mul3A_103 = arith.muli %arg0, %mul3A_102 : i32
    %get3A_104 = arith.constant 0 : index
    %get3A_105 = arith.index_cast %mul3A_103 : i32 to index
    %get3A_106 = vector.load %arg4[%get3A_104, %get3A_105] : memref<1x5120xf32, #tpu.memory_space<vmem>>, vector<1x256xf32>
    %convert_element_type3A_107 = arith.truncf %mul3A_98 : vector<256x256xf32> to vector<256x256xbf16>
    %while3A = arith.constant 0 : i32
    %while3A_108 = arith.constant true
    %while3A_109:3 = scf.while (%while3A_139 = %while3A, %while3A_140 = %get3A_106, %while3A_141 = %while3A_108) : (i32, vector<1x256xf32>, i1) -> (i32, vector<1x256xf32>, i1) {
      %le3A = arith.constant 256 : i32
      %le3A_142 = arith.cmpi sle, %while3A_139, %le3A : i32
      %and3A_143 = arith.andi %while3A_141, %le3A_142 : i1
      scf.condition(%and3A_143) %while3A_139, %while3A_140, %while3A_141 : i32, vector<1x256xf32>, i1
    } do {
    ^bb0(%while3A_139: i32, %while3A_140: vector<1x256xf32>, %while3A_141: i1):
      %convert_element_type3A_142 = arith.truncf %while3A_140 : vector<1x256xf32> to vector<1x256xbf16>
      %dot_general3A_143 = arith.constant dense<0.000000e+00> : vector<1x256xf32>
      %dot_general3A_144 = tpu.matmul %convert_element_type3A_142, %convert_element_type3A_107, %dot_general3A_143 {dimension_numbers = #tpu.dot_dimension_numbers<[1], [0], [0], [1], [0, 0, 1, 1], [], []>, transpose_lhs_hint = false} : vector<1x256xbf16>, vector<256x256xbf16>, vector<1x256xf32> -> vector<1x256xf32>
      %min3A_145 = arith.constant 1.000000e+00 : f32
      %min3A_146 = vector.broadcast %min3A_145 : f32 to vector<1x256xf32>
      %min3A_147 = arith.minimumf %dot_general3A_144, %min3A_146 : vector<1x256xf32>
      %sub3A_148 = arith.constant 1.000000e+00 : f32
      %sub3A_149 = vector.broadcast %sub3A_148 : f32 to vector<1x256xf32>
      %sub3A_150 = arith.subf %sub3A_149, %min3A_147 : vector<1x256xf32>
      %mul3A_151 = arith.mulf %get3A_106, %sub3A_150 : vector<1x256xf32>
      %convert_element_type3A_152 = arith.truncf %mul3A_151 : vector<1x256xf32> to vector<1x256xbf16>
      %dot_general3A_153 = arith.constant dense<0.000000e+00> : vector<1x256xf32>
      %dot_general3A_154 = tpu.matmul %convert_element_type3A_152, %convert_element_type3A_107, %dot_general3A_153 {dimension_numbers = #tpu.dot_dimension_numbers<[1], [0], [0], [1], [0, 0, 1, 1], [], []>, transpose_lhs_hint = false} : vector<1x256xbf16>, vector<256x256xbf16>, vector<1x256xf32> -> vector<1x256xf32>
      %min3A_155 = arith.constant 1.000000e+00 : f32
      %min3A_156 = vector.broadcast %min3A_155 : f32 to vector<1x256xf32>
      %min3A_157 = arith.minimumf %dot_general3A_154, %min3A_156 : vector<1x256xf32>
      %sub3A_158 = arith.constant 1.000000e+00 : f32
      %sub3A_159 = vector.broadcast %sub3A_158 : f32 to vector<1x256xf32>
      %sub3A_160 = arith.subf %sub3A_159, %min3A_157 : vector<1x256xf32>
      %mul3A_161 = arith.mulf %get3A_106, %sub3A_160 : vector<1x256xf32>
      %add3A_162 = arith.constant 1 : i32
      %add3A_163 = arith.addi %while3A_139, %add3A_162 : i32
      %ne3A = arith.cmpf one, %mul3A_161, %while3A_140 : vector<1x256xf32>
      %reduce_or3A = arith.constant 1.000000e+00 : f32
      %reduce_or3A_164 = arith.constant 0.000000e+00 : f32
      %reduce_or3A_165 = vector.broadcast %reduce_or3A : f32 to vector<1x256xf32>
      %reduce_or3A_166 = vector.broadcast %reduce_or3A_164 : f32 to vector<1x256xf32>
      %reduce_or3A_167 = arith.select %ne3A, %reduce_or3A_165, %reduce_or3A_166 : vector<1x256xi1>, vector<1x256xf32>
      %reduce_or3A_168 = vector.shape_cast %reduce_or3A_167 : vector<1x256xf32> to vector<1x1x256xf32>
      %reduce_or3A_169 = arith.constant dense<0xFF800000> : vector<1xf32>
      %reduce_or3A_170 = vector.multi_reduction <maximumf>, %reduce_or3A_168, %reduce_or3A_169 [1, 2] : vector<1x1x256xf32> to vector<1xf32>
      %reduce_or3A_171 = vector.shape_cast %reduce_or3A_170 : vector<1xf32> to vector<1x1x1xf32>
      %reduce_or3A_172 = vector.extract %reduce_or3A_171[0, 0, 0] : f32 from vector<1x1x1xf32>
      %reduce_or3A_173 = arith.constant 0.000000e+00 : f32
      %reduce_or3A_174 = arith.cmpf ogt, %reduce_or3A_172, %reduce_or3A_173 : f32
      scf.yield %add3A_163, %mul3A_161, %reduce_or3A_174 : i32, vector<1x256xf32>, i1
    }
    %convert_element_type3A_110 = arith.truncf %while3A_109#1 : vector<1x256xf32> to vector<1x256xbf16>
    %convert_element_type3A_111 = arith.truncf %convert_element_type3A_47 : vector<256x5120xf32> to vector<256x5120xbf16>
    %dot_general3A = arith.constant dense<0.000000e+00> : vector<1x5120xf32>
    %dot_general3A_112 = tpu.matmul %convert_element_type3A_110, %convert_element_type3A_111, %dot_general3A {dimension_numbers = #tpu.dot_dimension_numbers<[1], [0], [0], [1], [0, 0, 1, 1], [], []>, transpose_lhs_hint = false} : vector<1x256xbf16>, vector<256x5120xbf16>, vector<1x5120xf32> -> vector<1x5120xf32>
    %min3A_113 = arith.constant 1.000000e+00 : f32
    %min3A_114 = vector.broadcast %min3A_113 : f32 to vector<1x5120xf32>
    %min3A_115 = arith.minimumf %dot_general3A_112, %min3A_114 : vector<1x5120xf32>
    %iota3A_116 = tpu.iota {dimensions = array<i32: 1>} : vector<1x5120xi32>
    %add3A_117 = arith.constant 1 : i32
    %add3A_118 = arith.addi %arg0, %add3A_117 : i32
    %mul3A_119 = arith.constant 256 : i32
    %mul3A_120 = arith.muli %add3A_118, %mul3A_119 : i32
    %ge3A = vector.broadcast %mul3A_120 : i32 to vector<1x5120xi32>
    %ge3A_121 = arith.cmpi sge, %iota3A_116, %ge3A : vector<1x5120xi32>
    %convert_element_type3A_122 = arith.extui %ge3A_121 : vector<1x5120xi1> to vector<1x5120xi32>
    %convert_element_type3A_123 = arith.sitofp %convert_element_type3A_122 : vector<1x5120xi32> to vector<1x5120xf32>
    %mul3A_124 = arith.mulf %min3A_115, %convert_element_type3A_123 : vector<1x5120xf32>
    %sub3A_125 = arith.constant 1.000000e+00 : f32
    %sub3A_126 = vector.broadcast %sub3A_125 : f32 to vector<1x5120xf32>
    %sub3A_127 = arith.subf %sub3A_126, %mul3A_124 : vector<1x5120xf32>
    %mul3A_128 = arith.mulf %get3A_101, %sub3A_127 : vector<1x5120xf32>
    %swap3A = arith.constant 0 : index
    %swap3A_129 = arith.constant 0 : index
    %swap3A_130 = vector.load %arg4[%swap3A, %swap3A_129] : memref<1x5120xf32, #tpu.memory_space<vmem>>, vector<1x5120xf32>
    tpu.vector_store %arg4[%swap3A, %swap3A_129], %mul3A_128 {strides = array<i32>} : memref<1x5120xf32, #tpu.memory_space<vmem>>, vector<1x5120xf32>,
    %mul3A_131 = arith.constant 256 : i32
    %mul3A_132 = arith.muli %arg0, %mul3A_131 : i32
    %swap3A_133 = arith.constant 0 : index
    %swap3A_134 = arith.index_cast %mul3A_132 : i32 to index
    %swap3A_135 = vector.load %arg4[%swap3A_133, %swap3A_134] : memref<1x5120xf32, #tpu.memory_space<vmem>>, vector<1x256xf32>
    tpu.vector_store %arg4[%swap3A_133, %swap3A_134], %while3A_109#1 {strides = array<i32>} : memref<1x5120xf32, #tpu.memory_space<vmem>>, vector<1x256xf32>,
    %transpose3A = tpu.transpose %while3A_109#1, [1, 0] : vector<1x256xf32> -> vector<256x1xf32>
    %swap3A_136 = arith.constant 0 : index
    %swap3A_137 = arith.constant 0 : index
    %swap3A_138 = vector.load %arg5[%swap3A_136, %swap3A_137] : memref<256x1xf32, #tpu.memory_space<vmem>>, vector<256x1xf32>
    tpu.vector_store %arg5[%swap3A_136, %swap3A_137], %transpose3A {strides = array<i32>} : memref<256x1xf32, #tpu.memory_space<vmem>>, vector<256x1xf32>,
    return
  }
  func.func @transform_0(%arg0: i32) -> (i32, i32) {
    %c0_i32 = arith.constant 0 : i32
    %c0_i32_0 = arith.constant 0 : i32
    return %arg0, %c0_i32 : i32, i32
  }
  func.func @transform_1(%arg0: i32) -> (i32, i32) {
    %c0_i32 = arith.constant 0 : i32
    %c0_i32_0 = arith.constant 0 : i32
    %c0_i32_1 = arith.constant 0 : i32
    return %c0_i32, %c0_i32_0 : i32, i32
  }
  func.func @transform_2(%arg0: i32) -> (i32, i32) {
    %c0_i32 = arith.constant 0 : i32
    %c0_i32_0 = arith.constant 0 : i32
    return %c0_i32, %arg0 : i32, i32
  }
  func.func @transform_3(%arg0: i32) -> (i32, i32) {
    %c0_i32 = arith.constant 0 : i32
    %c0_i32_0 = arith.constant 0 : i32
    %c0_i32_1 = arith.constant 0 : i32
    return %c0_i32, %c0_i32_0 : i32, i32
  }
  func.func @transform_4(%arg0: i32) -> (i32, i32) {
    %c0_i32 = arith.constant 0 : i32
    %c0_i32_0 = arith.constant 0 : i32
    return %arg0, %c0_i32 : i32, i32
  }
}

module attributes {stable_mosaic.version = 14 : i64} {
  func.func @_finalize_kernel(%arg0: i32, %arg1: memref<5120x1xf32, #tpu.memory_space<vmem>>, %arg2: memref<5120x128xf32, #tpu.memory_space<vmem>>, %arg3: memref<5120x128xf32, #tpu.memory_space<vmem>>) attributes {dimension_semantics = [#tpu.dimension_semantics<arbitrary>], iteration_bounds = array<i64: 1>, scalar_prefetch = 0 : i64, scratch_operands = 0 : i64, tpu.core_type = #tpu.core_type<tc>, window_params = [{pipeline_mode = #tpu.pipeline_mode<synchronous>, transform_indices = @transform_0, window_bounds = array<i64: 5120, 1>}, {pipeline_mode = #tpu.pipeline_mode<synchronous>, transform_indices = @transform_1, window_bounds = array<i64: 5120, 128>}, {pipeline_mode = #tpu.pipeline_mode<synchronous>, transform_indices = @transform_2, window_bounds = array<i64: 5120, 128>}]} {
    %get3A = arith.constant 0 : index
    %get3A_0 = arith.constant 0 : index
    %get3A_1 = vector.load %arg1[%get3A, %get3A_0] : memref<5120x1xf32, #tpu.memory_space<vmem>>, vector<5120x1xf32>
    %get3A_2 = arith.constant 0 : index
    %get3A_3 = arith.constant 6 : index
    %get3A_4 = vector.load %arg2[%get3A_2, %get3A_3] : memref<5120x128xf32, #tpu.memory_space<vmem>>, vector<5120x5xf32>
    %mul3A = vector.broadcast %get3A_1 : vector<5120x1xf32> to vector<5120x5xf32>
    %mul3A_5 = arith.mulf %get3A_4, %mul3A : vector<5120x5xf32>
    %broadcast_in_dim3A = arith.constant 0.000000e+00 : f32
    %broadcast_in_dim3A_6 = vector.broadcast %broadcast_in_dim3A : f32 to vector<5120x123xf32>
    %concatenate3A = tpu.concatenate %mul3A_5, %broadcast_in_dim3A_6 in 1 : vector<5120x5xf32>, vector<5120x123xf32> -> vector<5120x128xf32>
    %swap3A = arith.constant 0 : index
    %swap3A_7 = arith.constant 0 : index
    %swap3A_8 = vector.load %arg3[%swap3A, %swap3A_7] : memref<5120x128xf32, #tpu.memory_space<vmem>>, vector<5120x128xf32>
    tpu.vector_store %arg3[%swap3A, %swap3A_7], %concatenate3A {strides = array<i32>} : memref<5120x128xf32, #tpu.memory_space<vmem>>, vector<5120x128xf32>,
    return
  }
  func.func @transform_0(%arg0: i32) -> (i32, i32) {
    %c0_i32 = arith.constant 0 : i32
    %c0_i32_0 = arith.constant 0 : i32
    %c0_i32_1 = arith.constant 0 : i32
    return %c0_i32, %c0_i32_0 : i32, i32
  }
  func.func @transform_1(%arg0: i32) -> (i32, i32) {
    %c0_i32 = arith.constant 0 : i32
    %c0_i32_0 = arith.constant 0 : i32
    %c0_i32_1 = arith.constant 0 : i32
    return %c0_i32, %c0_i32_0 : i32, i32
  }
  func.func @transform_2(%arg0: i32) -> (i32, i32) {
    %c0_i32 = arith.constant 0 : i32
    %c0_i32_0 = arith.constant 0 : i32
    %c0_i32_1 = arith.constant 0 : i32
    return %c0_i32, %c0_i32_0 : i32, i32
  }
}

</mosaic_0001>

<sc_bundles>
// kernel: kernel.10.cloned.1.call-start
scs
__scs_entry_jumppad:
0x0: {  	(pc) =	sbr.rel $0x88, $3  }
0x1: {  	(tag) =	ssettag $0x0;
	lr =	simm.s32 $0x1  }
0x2: {  	[smem:$0x3F9E] =	sst lr;
	_ =	strace $0xD0000000  }
0x3: {  	_ = 	snop  }
0x4: {  	_ = 	snop  }
0x5: {  	_ = 	snop  }
0x6: {  	_ = 	snop  }
0x7: {  	_ = 	snop  }
__scs_overlays_trampoline_lowered:
0x8: {  	[smem:$0x3FAD] =	sst s0  }
0x9: {  	[smem:$0x3FAE] =	sst s1  }
0xa: {  	[smem:$0x3FAF] =	sst s2  }
0xb: {  	[smem:$0x3FB0] =	sst s3  }
0xc: {  	[smem:$0x3FB1] =	sst s4  }
0xd: {  	[smem:$0x3FB2] =	sst s5  }
0xe: {  	[smem:$0x3FB3] =	sst s6  }
0xf: {  	[smem:$0x3FB4] =	sst s7  }
0x10: {  	[smem:$0x3FB5] =	sst s8  }
0x11: {  	[smem:$0x3FB6] =	sst s9;
	s0 =	simm.s32 @!p0 $0x0  }
0x12: {  	s1 =	sld [smem:$0x3F9C];
	s0 =	simm.s32 @p0 $0x1  }
0x13: {  	[smem:$0x3FB7] =	sst s0;
	s0 =	simm.s32 @!p1 $0x0  }
0x14: {  	s2 =	sld [smem:$0x3F9B];
	s0 =	simm.s32 @p1 $0x1  }
0x15: {  	[smem:$0x3FB8] =	sst s0;
	s0 =	simm.s32 @!p2 $0x0  }
0x16: {  	s3 =	sld [smem:$0x3FDB];
	s0 =	simm.s32 @p2 $0x1  }
0x17: {  	s4 =	simm.s32 $0x1BF5;
	[smem:$0x3FBA] =	sst s0  }
0x18: {  	s0 =	sld [smem:$0x3F9D];
	_ =	swait.ge [sflag:s4], $0x0  }
0x19: {  	s7 =	sld [smem:$0x3F9E]  }
0x1a: {  	s8 =	sadd.s32 $0xFFFFE003, lr  }
0x1b: {  	s9 =	sadd.s32 $0xFFFFFEF7, lr;
	s5 =	simm.s32 $0xFFFFFFFF;
	p2 =	slt.u32 s8, $0xFFFFF086  }
0x1c: {  	p1 =	slt.u32 s9, $0xF7A;
	s5 =	simm.s32 @!p2 $0x0  }
0x1d: {  	s5 =	simm.s32 @p1 $0x1;
	p0 =	seq.s32 s7, s2  }
0x1e: {  	s7 =	smul.u32 @!p0 $0xF7A, s2;
	p2 =	seq.s32 @!p0 s5, $0x0  }
0x1f: {  	s9 =	smul.u32 $0xF7A, s1;
	s8 =	simm.s32 @!p0 $0x1BF5;
	p2 =	por !p2, p0  }
0x20: {  	[sflag:s8] =	ssyncset.s32 @!p0 $0xFFFFF086;
	s6 =	sadd.s32 @!p0 s3, s7;
	s7 =	simm.s32 @!p0 $0x108  }
0x21: {  	s3 =	sadd.s32 s3, s9;
	s6 =	sadd.s32 @!p0 $0x88, s6;
	s7 =	simm.s32 @p2 $0x1082  }
0x22: {  	[simem:s7], [sflag:s8] =	dma.local @!p0 [hbm:s6], $0xF7A  }
0x23: {  	s9 =	sor.u32 $0xD0000000, s2;
	s6 =	simm.s32 $0x108;
	_ =	swait.ge @!p0 [sflag:s8], $0x0  }
0x24: {  	s3 =	sadd.s32 $0x88, s3;
	s6 =	simm.s32 @!p1 $0x1082;
	[sflag:s4] =	ssyncset.s32 $0xFFFFF086  }
0x25: {  	[simem:s6], [sflag:s4] =	dma.local [hbm:s3], $0xF7A  }
0x26: {  	[smem:$0x3F9E] =	sst s1;
	(tag) =	ssettag s2;
	_ =	strace s9  }
0x27: {  	s1 =	sld [smem:$0x3FAE]  }
0x28: {  	s2 =	sld [smem:$0x3FAF]  }
0x29: {  	s4 =	sld [smem:$0x3FB1]  }
0x2a: {  	p0 =	seq.s32 s5, $0x0;
	s5 =	sld [smem:$0x3FB2]  }
0x2b: {  	s6 =	sld [smem:$0x3FB3]  }
0x2c: {  	s7 =	sld [smem:$0x3FB4]  }
0x2d: {  	s3 =	simm.s32 $0x108;
	s8 =	sld [smem:$0x3FB5]  }
0x2e: {  	s3 =	simm.s32 @!p0 $0x1082;
	s9 =	sld [smem:$0x3FB6]  }
0x2f: {  	lr =	sadd.s32 s0, s3;
	s0 =	sld [smem:$0x3FAD]  }
0x30: {  	s3 =	sld [smem:$0x3FB0]  }
0x31: {  	[smem:$0x3FB9] =	sst s10  }
0x32: {  	s10 =	sld [smem:$0x3FB7];
	_ =	sdelay $0x3  }
0x33: {  	p0 =	seq.s32 s10, $0x1;
	s10 =	sld [smem:$0x3FB9];
	_ =	sdelay $0x3  }
0x34: {  	[smem:$0x3FB9] =	sst s10  }
0x35: {  	s10 =	sld [smem:$0x3FB8];
	_ =	sdelay $0x3  }
0x36: {  	p1 =	seq.s32 s10, $0x1;
	s10 =	sld [smem:$0x3FB9];
	_ =	sdelay $0x3  }
0x37: {  	[smem:$0x3FB9] =	sst s10  }
0x38: {  	s10 =	sld [smem:$0x3FBA]  }
0x39: {  	_ = 	snop;
	(pc) =	sbr.ind lr, $3  }
0x3a: {  	_ = 	snop  }
0x3b: {  	_ = 	snop  }
0x3c: {  	p2 =	seq.s32 s10, $0x1;
	s10 =	sld [smem:$0x3FB9]  }
0x3d: {  	_ =	shalt  }
0x3e: {  	_ =	shalt  }
0x3f: {  	_ =	shalt  }
0x40: {  	_ =	shalt  }
0x41: {  	_ =	shalt  }
0x42: {  	_ =	shalt  }
0x43: {  	_ =	shalt  }
0x44: {  	_ =	shalt  }
0x45: {  	_ =	shalt  }
0x46: {  	_ =	shalt  }
0x47: {  	_ =	shalt  }
0x48: {  	_ =	shalt  }
0x49: {  	_ =	shalt  }
0x4a: {  	_ =	shalt  }
0x4b: {  	_ =	shalt  }
0x4c: {  	_ =	shalt  }
0x4d: {  	_ =	shalt  }
0x4e: {  	_ =	shalt  }
0x4f: {  	_ =	shalt  }
0x50: {  	_ =	shalt  }
0x51: {  	_ =	shalt  }
0x52: {  	_ =	shalt  }
0x53: {  	_ =	shalt  }
0x54: {  	_ =	shalt  }
0x55: {  	_ =	shalt  }
0x56: {  	_ =	shalt  }
0x57: {  	_ =	shalt  }
0x58: {  	_ =	shalt  }
0x59: {  	_ =	shalt  }
0x5a: {  	_ =	shalt  }
0x5b: {  	_ =	shalt  }
0x5c: {  	_ =	shalt  }
0x5d: {  	_ =	shalt  }
0x5e: {  	_ =	shalt  }
0x5f: {  	_ =	shalt  }
0x60: {  	_ =	shalt  }
0x61: {  	_ =	shalt  }
0x62: {  	_ =	shalt  }
0x63: {  	_ =	shalt  }
0x64: {  	_ =	shalt  }
0x65: {  	_ =	shalt  }
0x66: {  	_ =	shalt  }
0x67: {  	_ =	shalt  }
0x68: {  	_ =	shalt  }
0x69: {  	_ =	shalt  }
0x6a: {  	_ =	shalt  }
0x6b: {  	_ =	shalt  }
0x6c: {  	_ =	shalt  }
0x6d: {  	_ =	shalt  }
0x6e: {  	_ =	shalt  }
0x6f: {  	_ =	shalt  }
0x70: {  	_ =	shalt  }
0x71: {  	_ =	shalt  }
0x72: {  	_ =	shalt  }
0x73: {  	_ =	shalt  }
0x74: {  	_ =	shalt  }
0x75: {  	_ =	shalt  }
0x76: {  	_ =	shalt  }
0x77: {  	_ =	shalt  }
0x78: {  	_ =	shalt  }
0x79: {  	_ =	shalt  }
0x7a: {  	_ =	shalt  }
0x7b: {  	_ =	shalt  }
0x7c: {  	_ =	shalt  }
0x7d: {  	_ =	shalt  }
0x7e: {  	_ =	shalt  }
0x7f: {  	_ =	shalt  }
0x80: {  	_ =	shalt  }
0x81: {  	_ =	shalt  }
0x82: {  	_ =	shalt  }
0x83: {  	_ =	shalt  }
0x84: {  	_ =	shalt  }
0x85: {  	_ =	shalt  }
0x86: {  	_ =	shalt  }
0x87: {  	_ =	shalt  }
.Lfunc_end0:
.L_simem_size_0:
called_computation.1_lowered:
.L_overlay_start_0:
0x88: {  	s2 =	sld [smem:$0x3FD9]  }
0x89: {  	s3 =	sld [smem:$0x3FFE];
	_ =	sdelay $0x1  }
0x8a: {  	s1 =	srdreg.scid  }
0x8b: {  	s0 =	sand.u32 $0x1, s1  }
0x8c: {  	s16 =	sshll.u32 s0, $0xA;
	s2 =	sadd.s32 s3, s2  }
0x8d: {  	s2 =	sadd.s32 s2, s16  }
0x8e: {  	[smem:$0x3FC5] =	sst s2  }
0x8f: {  	_ = 	snop  }
0x90: {  	(tm) =	ssettm $0x1  }
0x91: {  	s17 =	sld [smem:$0x3FFB];
	_ =	sdelay $0x3  }
0x92: {  	_ =	strace s17  }
0x93: {  	s2 =	sld [smem:$0x3FFC];
	_ =	sdelay $0x3  }
0x94: {  	_ =	strace s2  }
0x95: {  	s2 =	sld [smem:$0x3FFD];
	_ =	sdelay $0x3  }
0x96: {  	_ =	strace s2  }
0x97: {  	_ =	strace $0x8FFFFFFF  }
0x98: {  	s18 =	sld [smem:$0x3FDB];
	_ =	sdelay $0x1  }
0x99: {  	s19 =	simm.s32 $_scs_section_size  }
0x9a: {  	s4 =	simm.s32 $_size__tile_overlayer_lowered;
	s5 =	simm.s32 $_tile_overlayer_lowered  }
0x9b: {  	s22 =	simm.s32 $0x1BFF;
	s21 =	sshll.u32 s5, $0x1;
	s2 =	sadd.s32 s19, s18  }
0x9c: {  	s6 =	simm.s32 $0x0;
	s20 =	sshll.u32 s4, $0x1;
	s4 =	sadd.s32 s21, s2  }
0x9d: {  	[timem:s6], [sflag:s22] =	dma.local [hbm:s4], s20  }
0x9e: {  	_ =	swait.ge [sflag:s22], s20  }
0x9f: {  	s3 =	ssub.s32 $0x0, s20;
	[sflag:s22] =	ssyncset.done $0x0  }
0xa0: {  	[sflag:s22] =	ssyncadd.s32 s3;
	_ =	sdelay $0x1  }
0xa1: {  	s23 =	simm.s32 $0x1B8B  }
0xa2: {  	_ =	swait.ge [sflag:s23], $0x1  }
0xa3: {  	[sflag:s23] =	ssyncset.done $0x0  }
0xa4: {  	s25 =	simm.s32 $0x1B8E;
	s24 =	sld [smem:$0x3FFE];
	[sflag:s23] =	ssyncadd.s32 $0xFFFFFFFF  }
0xa5: {  	s26 =	simm.s32 $execute0_lowered;
	[smem:$0x3FD2] =	sst s25  }
0xa6: {  	s4 =	sshll.u32 s26, $0x1;
	_ =	strace $0x80000049;
	[dreg:$0x1] =	wrdreg $0xFFFFFFFF  }
0xa7: {  	s28 =	simm.s32 $_size_execute0_lowered;
	s2 =	sadd.s32 s2, s4;
	[dreg:$0x0] =	wrdreg $0x0  }
0xa8: {  	s4 =	sshll.u32 s28, $0x1;
	[dreg:$0x2] =	wrdreg s2  }
0xa9: {  	[dreg:$0x3] =	wrdreg s4  }
0xaa: {  	[dreg:$0x4] =	wrdreg $0xC0  }
0xab: {  	_ =	task [dreg:s6], $0x5FFFF  }
0xac: {  	[dreg:$0x1] =	wrdreg $0xFFFFFFFF  }
0xad: {  	[dreg:$0x0] =	wrdreg $0x60  }
0xae: {  	[dreg:$0x2] =	wrdreg s24  }
0xaf: {  	[dreg:$0x3] =	wrdreg $0x9  }
0xb0: {  	_ =	task.clear_ibuf [dreg:s6], $0x4FFFF;
	_ =	strace $0x90000049  }
0xb1: {  	s29 =	simm.s32 $0x9;
	_ =	strace $0x8000004B  }
0xb2: {  	_ =	swait.ge [sflag:s29], $0x1  }
0xb3: {  	[sflag:s29] =	ssyncadd.s32 $0xFFFFFFFF  }
0xb4: {  	_ =	strace $0x9000004B  }
0xb5: {  	_ =	sfence  }
0xb6: {  	s30 =	sld [smem:$0x0];
	_ =	sdelay $0x2  }
0xb7: {  	s31 =	sshll.u32 s1, $0xD;
	s1 =	sshrl.u32 s1, $0x2  }
0xb8: {  	s3 =	sand.u32 $0x4000, s31;
	s1 =	sadd.s32 s1, s30  }
0xb9: {  	s0 =	sor.u32 s3, s0;
	s1 =	sshll.u32 s1, $0x11  }
0xba: {  	s0 =	sor.u32 s1, s0  }
0xbb: {  	s0 =	sadd.s32 $0x8F2B, s0  }
0xbc: {  	[sflag:s0] =	ssyncadd.remote.s32 $0x1  }
0xbd: {  	_ =	sfence.sel $0xFFFF  }
0xbe: {  	[dreg:$0x0] =	wrdreg $0xFFFFFFFF;
	(pc) =	sbr.abs _section_cstart, $3  }
0xbf: {  	[dreg:$0x1] =	wrdreg $0xFFFFFFFF  }
0xc0: {  	_ =	task.clear_ibuf [dreg:s6], $0x2FFFF;
	_ =	strace $0x9FFFFFFF  }
0xc1: {  	(tm) =	ssettm $0x7FFFFFFF  }
tec
execute0_lowered:
.L_overlay_start_1:
0x0: {  	(tag) =	ssettag $0x1  }
0x1: {  	s1 =	srdreg.scid;
	s0 =	stileid.u32  }
0x2: {  	s9 =	sand.u32 $0x1, s1;
	s30 =	sshll.u32 s0, $0x1  }
0x3: {  	s10 =	sor.u32 s9, s30  }
0x4: {  	s11 =	rddreg [dreg:$0x0];
	s3 =	smul.u32 $0x14, s10  }
0x5: {  	s2 =	simm.s32 $0x0;
	s1 =	rddreg [dreg:$0x1]  }
0x6: {  	[smem:$0x7FF] =	sst s2;
	s3 =	sadd.s32 s3, s11  }
0x7: {  	_ =	strace $0x8000004A;
	s4 =	sadd.s32 $0x28E00, s3;
	s3 =	simm.s32 $0x2  }
0x8: {  	[tilespmem:s2], [sflag:$0x2] =	stream.linear.gather [hbm4b:s4+s2], $0xA0, $0x38;
	[tilespmem:$0x5100] =	vst v63  }
0x9: {  	s6 =	simm.s32 $0x50;
	_ =	swait.ge [sflag:s3], $0xA0  }
0xa: {  	s7 =	simm.s32 $0x100;
	s8 =	simm.s32 $0x1;
	[sflag:s3] =	ssyncset.done $0x0  }
0xb: {  	s5 =	sadd.s32 $0xE00, s11;
	s12 =	ssub.s32 $0x2, s9;
	[sflag:s3] =	ssyncadd.s32 $0xFFFFFF60  }
0xc: {  	[tilespmem:s7], [sflag:$0x1] =	stream.indirect.gather [hbm4b:s5+s6], $0x80, s2, s6, $0xb8;
	[tilespmem:$0x5100] =	vst v63  }
0xd: {  	s10 =	smul.u32 $0xA00, s10;
	s13 =	sshrl.u32 s12, $0x1;
	_ =	swait.ge [sflag:s8], $0x2800  }
0xe: {  	s9 =	simm.s32 $0x2900;
	s31 =	ssub.s32 s12, s13;
	[sflag:s8] =	ssyncset.done $0x0  }
0xf: {  	s10 =	sadd.s32 s10, s11;
	s11 =	smax.u32 s31, $0x1;
	[sflag:s8] =	ssyncadd.s32 $0xFFFFD800  }
0x10: {  	[tilespmem:s9], [sflag:$0x1] =	stream.indirect.gather [hbm4b:s5+s6], $0x80, s6, s6, $0xb8;
	[tilespmem:$0x5100] =	vst v63  }
0x11: {  	p0 =	sne.s32 s11, $0x1;
	_ =	swait.ge [sflag:s8], $0x2800  }
.Ltmp0:
0x12: {  	[sflag:s8] =	ssyncset.done $0x0;
	(pc) =	sbr.rel @!p0 .LBB2_2-.Ltmp0, $4  }
0x13: {  	s10 =	sadd.s32 $0x14E00, s10;
	[sflag:s8] =	ssyncadd.s32 $0xFFFFD800  }
0x14: {  	[hbm4b:s10+s2] =	stream.linear.scatter [tilespmem:s7], [sflag:$0x2], $0x5000, $0x38;
	[tilespmem:$0x5100] =	vst v63  }
0x15: {  	_ =	swait.ge [sflag:s3], $0x5000  }
0x16: {  	s11 =	sadd.s32 $0xFFFFFFFF, s11;
	[sflag:s3] =	ssyncset.done $0x0  }
.LBB2_1:
0x17: {  	p0 =	sne.s32 s11, $0x1;
	s11 =	sadd.s32 $0xFFFFFFFF, s11;
	[sflag:s3] =	ssyncadd.s32 $0xFFFFB000  }
0x18: {  	[tilespmem:s2], [sflag:$0x2] =	stream.linear.gather [hbm4b:s4+s2], $0xA0, $0x38;
	[tilespmem:$0x5100] =	vst v63  }
0x19: {  	_ =	swait.ge [sflag:s3], $0xA0  }
0x1a: {  	[sflag:s3] =	ssyncset.done $0x0  }
0x1b: {  	[sflag:s3] =	ssyncadd.s32 $0xFFFFFF60  }
0x1c: {  	[tilespmem:s7], [sflag:$0x1] =	stream.indirect.gather [hbm4b:s5+s6], $0x80, s2, s6, $0xb8;
	[tilespmem:$0x5100] =	vst v63  }
0x1d: {  	_ =	swait.ge [sflag:s8], $0x2800  }
0x1e: {  	[sflag:s8] =	ssyncset.done $0x0  }
0x1f: {  	[sflag:s8] =	ssyncadd.s32 $0xFFFFD800  }
0x20: {  	[tilespmem:s9], [sflag:$0x1] =	stream.indirect.gather [hbm4b:s5+s6], $0x80, s6, s6, $0xb8;
	[tilespmem:$0x5100] =	vst v63  }
0x21: {  	_ =	swait.ge [sflag:s8], $0x2800  }
.Ltmp1:
0x22: {  	[sflag:s8] =	ssyncset.done $0x0;
	(pc) =	sbr.rel @p0 .LBB2_1-.Ltmp1, $4  }
0x23: {  	[sflag:s8] =	ssyncadd.s32 $0xFFFFD800  }
0x24: {  	[hbm4b:s10+s2] =	stream.linear.scatter [tilespmem:s7], [sflag:$0x2], $0x5000, $0x38;
	[tilespmem:$0x5100] =	vst v63  }
0x25: {  	_ =	swait.ge [sflag:s3], $0x5000  }
0x26: {  	[sflag:s3] =	ssyncset.done $0x0  }
.LBB2_2:
0x27: {  	[sflag:s3] =	ssyncadd.s32 $0xFFFFB000  }
0x28: {  	_ =	sfence.sel $0x180000  }
0x29: {  	[bflag:$0x0] =	sbarrier.arrive $0xFFFF  }
0x2a: {  	p0 =	sne.s32 s0, $0x0;
	_ =	strace $0x9000004A  }
0x2b: {  	s0 =	sadd.s32 @!p0 $0x100000, s1;
	[bflag:$0x2] =	sbarrier.arrive $0xFFFF  }
0x2c: {  	[sflag:s0] =	ssyncadd.tile.s32 @!p0 $0x1;
	_ =	shalt  }
.Lfunc_end2:
_tile_overlayer_lowered:
.L_overlay_start_2:
0x2d: {  	(tag) =	ssettag $0x2  }
0x2e: {  	s0 =	rddreg [dreg:$0x0];
	s2 =	stileid.u32  }
0x2f: {  	s1 =	rddreg [dreg:$0x1];
	p0 =	sne.s32 s2, $0x0  }
0x30: {  	s3 =	rddreg [dreg:$0x2];
	[bflag:$0x3] =	sbarrier.arrive $0xFFFF;
	s2 =	simm.s32 @!p0 $0x1C02  }
0x31: {  	[timem:s3], [sflag:s2] =	dma.local @!p0 [hbm:s0], s1  }
0x32: {  	s0 =	simm.s32 @!p0 $0x2  }
0x33: {  	_ =	swait.ge @!p0 [sflag:s0], s1  }
0x34: {  	s1 =	ssub.s32 @!p0 $0x0, s1;
	[sflag:s0] =	ssyncset.done @!p0 $0x0  }
0x35: {  	[sflag:s0] =	ssyncadd.s32 @!p0 s1  }
0x36: {  	[bflag:$0x3] =	sbarrier.arrive $0xFFFF  }
0x37: {  	_ =	shalt  }

// kernel: kernel.7.cloned.1.call-start
scs
__scs_entry_jumppad:
0x0: {  	(pc) =	sbr.rel $0x88, $3  }
0x1: {  	(tag) =	ssettag $0x0;
	lr =	simm.s32 $0x1  }
0x2: {  	[smem:$0x3F9E] =	sst lr;
	_ =	strace $0xD0000000  }
0x3: {  	_ = 	snop  }
0x4: {  	_ = 	snop  }
0x5: {  	_ = 	snop  }
0x6: {  	_ = 	snop  }
0x7: {  	_ = 	snop  }
__scs_overlays_trampoline_lowered:
0x8: {  	[smem:$0x3FAD] =	sst s0  }
0x9: {  	[smem:$0x3FAE] =	sst s1  }
0xa: {  	[smem:$0x3FAF] =	sst s2  }
0xb: {  	[smem:$0x3FB0] =	sst s3  }
0xc: {  	[smem:$0x3FB1] =	sst s4  }
0xd: {  	[smem:$0x3FB2] =	sst s5  }
0xe: {  	[smem:$0x3FB3] =	sst s6  }
0xf: {  	[smem:$0x3FB4] =	sst s7  }
0x10: {  	[smem:$0x3FB5] =	sst s8  }
0x11: {  	[smem:$0x3FB6] =	sst s9;
	s0 =	simm.s32 @!p0 $0x0  }
0x12: {  	s1 =	sld [smem:$0x3F9C];
	s0 =	simm.s32 @p0 $0x1  }
0x13: {  	[smem:$0x3FB7] =	sst s0;
	s0 =	simm.s32 @!p1 $0x0  }
0x14: {  	s2 =	sld [smem:$0x3F9B];
	s0 =	simm.s32 @p1 $0x1  }
0x15: {  	[smem:$0x3FB8] =	sst s0;
	s0 =	simm.s32 @!p2 $0x0  }
0x16: {  	s3 =	sld [smem:$0x3FDB];
	s0 =	simm.s32 @p2 $0x1  }
0x17: {  	s4 =	simm.s32 $0x1BF5;
	[smem:$0x3FBA] =	sst s0  }
0x18: {  	s0 =	sld [smem:$0x3F9D];
	_ =	swait.ge [sflag:s4], $0x0  }
0x19: {  	s7 =	sld [smem:$0x3F9E]  }
0x1a: {  	s8 =	sadd.s32 $0xFFFFE003, lr  }
0x1b: {  	s9 =	sadd.s32 $0xFFFFFEF7, lr;
	s5 =	simm.s32 $0xFFFFFFFF;
	p2 =	slt.u32 s8, $0xFFFFF086  }
0x1c: {  	p1 =	slt.u32 s9, $0xF7A;
	s5 =	simm.s32 @!p2 $0x0  }
0x1d: {  	s5 =	simm.s32 @p1 $0x1;
	p0 =	seq.s32 s7, s2  }
0x1e: {  	s7 =	smul.u32 @!p0 $0xF7A, s2;
	p2 =	seq.s32 @!p0 s5, $0x0  }
0x1f: {  	s9 =	smul.u32 $0xF7A, s1;
	s8 =	simm.s32 @!p0 $0x1BF5;
	p2 =	por !p2, p0  }
0x20: {  	[sflag:s8] =	ssyncset.s32 @!p0 $0xFFFFF086;
	s6 =	sadd.s32 @!p0 s3, s7;
	s7 =	simm.s32 @!p0 $0x108  }
0x21: {  	s3 =	sadd.s32 s3, s9;
	s6 =	sadd.s32 @!p0 $0x88, s6;
	s7 =	simm.s32 @p2 $0x1082  }
0x22: {  	[simem:s7], [sflag:s8] =	dma.local @!p0 [hbm:s6], $0xF7A  }
0x23: {  	s9 =	sor.u32 $0xD0000000, s2;
	s6 =	simm.s32 $0x108;
	_ =	swait.ge @!p0 [sflag:s8], $0x0  }
0x24: {  	s3 =	sadd.s32 $0x88, s3;
	s6 =	simm.s32 @!p1 $0x1082;
	[sflag:s4] =	ssyncset.s32 $0xFFFFF086  }
0x25: {  	[simem:s6], [sflag:s4] =	dma.local [hbm:s3], $0xF7A  }
0x26: {  	[smem:$0x3F9E] =	sst s1;
	(tag) =	ssettag s2;
	_ =	strace s9  }
0x27: {  	s1 =	sld [smem:$0x3FAE]  }
0x28: {  	s2 =	sld [smem:$0x3FAF]  }
0x29: {  	s4 =	sld [smem:$0x3FB1]  }
0x2a: {  	p0 =	seq.s32 s5, $0x0;
	s5 =	sld [smem:$0x3FB2]  }
0x2b: {  	s6 =	sld [smem:$0x3FB3]  }
0x2c: {  	s7 =	sld [smem:$0x3FB4]  }
0x2d: {  	s3 =	simm.s32 $0x108;
	s8 =	sld [smem:$0x3FB5]  }
0x2e: {  	s3 =	simm.s32 @!p0 $0x1082;
	s9 =	sld [smem:$0x3FB6]  }
0x2f: {  	lr =	sadd.s32 s0, s3;
	s0 =	sld [smem:$0x3FAD]  }
0x30: {  	s3 =	sld [smem:$0x3FB0]  }
0x31: {  	[smem:$0x3FB9] =	sst s10  }
0x32: {  	s10 =	sld [smem:$0x3FB7];
	_ =	sdelay $0x3  }
0x33: {  	p0 =	seq.s32 s10, $0x1;
	s10 =	sld [smem:$0x3FB9];
	_ =	sdelay $0x3  }
0x34: {  	[smem:$0x3FB9] =	sst s10  }
0x35: {  	s10 =	sld [smem:$0x3FB8];
	_ =	sdelay $0x3  }
0x36: {  	p1 =	seq.s32 s10, $0x1;
	s10 =	sld [smem:$0x3FB9];
	_ =	sdelay $0x3  }
0x37: {  	[smem:$0x3FB9] =	sst s10  }
0x38: {  	s10 =	sld [smem:$0x3FBA]  }
0x39: {  	_ = 	snop;
	(pc) =	sbr.ind lr, $3  }
0x3a: {  	_ = 	snop  }
0x3b: {  	_ = 	snop  }
0x3c: {  	p2 =	seq.s32 s10, $0x1;
	s10 =	sld [smem:$0x3FB9]  }
0x3d: {  	_ =	shalt  }
0x3e: {  	_ =	shalt  }
0x3f: {  	_ =	shalt  }
0x40: {  	_ =	shalt  }
0x41: {  	_ =	shalt  }
0x42: {  	_ =	shalt  }
0x43: {  	_ =	shalt  }
0x44: {  	_ =	shalt  }
0x45: {  	_ =	shalt  }
0x46: {  	_ =	shalt  }
0x47: {  	_ =	shalt  }
0x48: {  	_ =	shalt  }
0x49: {  	_ =	shalt  }
0x4a: {  	_ =	shalt  }
0x4b: {  	_ =	shalt  }
0x4c: {  	_ =	shalt  }
0x4d: {  	_ =	shalt  }
0x4e: {  	_ =	shalt  }
0x4f: {  	_ =	shalt  }
0x50: {  	_ =	shalt  }
0x51: {  	_ =	shalt  }
0x52: {  	_ =	shalt  }
0x53: {  	_ =	shalt  }
0x54: {  	_ =	shalt  }
0x55: {  	_ =	shalt  }
0x56: {  	_ =	shalt  }
0x57: {  	_ =	shalt  }
0x58: {  	_ =	shalt  }
0x59: {  	_ =	shalt  }
0x5a: {  	_ =	shalt  }
0x5b: {  	_ =	shalt  }
0x5c: {  	_ =	shalt  }
0x5d: {  	_ =	shalt  }
0x5e: {  	_ =	shalt  }
0x5f: {  	_ =	shalt  }
0x60: {  	_ =	shalt  }
0x61: {  	_ =	shalt  }
0x62: {  	_ =	shalt  }
0x63: {  	_ =	shalt  }
0x64: {  	_ =	shalt  }
0x65: {  	_ =	shalt  }
0x66: {  	_ =	shalt  }
0x67: {  	_ =	shalt  }
0x68: {  	_ =	shalt  }
0x69: {  	_ =	shalt  }
0x6a: {  	_ =	shalt  }
0x6b: {  	_ =	shalt  }
0x6c: {  	_ =	shalt  }
0x6d: {  	_ =	shalt  }
0x6e: {  	_ =	shalt  }
0x6f: {  	_ =	shalt  }
0x70: {  	_ =	shalt  }
0x71: {  	_ =	shalt  }
0x72: {  	_ =	shalt  }
0x73: {  	_ =	shalt  }
0x74: {  	_ =	shalt  }
0x75: {  	_ =	shalt  }
0x76: {  	_ =	shalt  }
0x77: {  	_ =	shalt  }
0x78: {  	_ =	shalt  }
0x79: {  	_ =	shalt  }
0x7a: {  	_ =	shalt  }
0x7b: {  	_ =	shalt  }
0x7c: {  	_ =	shalt  }
0x7d: {  	_ =	shalt  }
0x7e: {  	_ =	shalt  }
0x7f: {  	_ =	shalt  }
0x80: {  	_ =	shalt  }
0x81: {  	_ =	shalt  }
0x82: {  	_ =	shalt  }
0x83: {  	_ =	shalt  }
0x84: {  	_ =	shalt  }
0x85: {  	_ =	shalt  }
0x86: {  	_ =	shalt  }
0x87: {  	_ =	shalt  }
.Lfunc_end0:
.L_simem_size_0:
called_computation_lowered:
.L_overlay_start_0:
0x88: {  	s2 =	sld [smem:$0x3FD9]  }
0x89: {  	s3 =	sld [smem:$0x3FFE];
	_ =	sdelay $0x1  }
0x8a: {  	s1 =	srdreg.scid  }
0x8b: {  	s0 =	sand.u32 $0x1, s1  }
0x8c: {  	s17 =	sshll.u32 s0, $0xA;
	s2 =	sadd.s32 s3, s2  }
0x8d: {  	s2 =	sadd.s32 s2, s17  }
0x8e: {  	[smem:$0x3FC5] =	sst s2  }
0x8f: {  	_ = 	snop  }
0x90: {  	s2 =	sld [smem:$0x3FD0];
	(tm) =	ssettm $0x1  }
0x91: {  	s18 =	sld [smem:$0x3FFB];
	_ =	sdelay $0x3  }
0x92: {  	_ =	strace s18  }
0x93: {  	s3 =	sld [smem:$0x3FFC];
	_ =	sdelay $0x3  }
0x94: {  	_ =	strace s3  }
0x95: {  	s3 =	sld [smem:$0x3FFD];
	_ =	sdelay $0x3  }
0x96: {  	_ =	strace s3  }
0x97: {  	_ =	strace $0x8FFFFFFF  }
0x98: {  	s19 =	sld [smem:$0x3FDB];
	_ =	sdelay $0x1  }
0x99: {  	s4 =	simm.s32 $_scs_section_size  }
0x9a: {  	s5 =	simm.s32 $_size__tile_overlayer_lowered;
	s6 =	simm.s32 $_tile_overlayer_lowered  }
0x9b: {  	s22 =	simm.s32 $0x1BFF;
	s21 =	sshll.u32 s6, $0x1;
	s3 =	sadd.s32 s4, s19  }
0x9c: {  	s7 =	simm.s32 $0x0;
	s20 =	sshll.u32 s5, $0x1;
	s5 =	sadd.s32 s21, s3  }
0x9d: {  	[timem:s7], [sflag:s22] =	dma.local [hbm:s5], s20  }
0x9e: {  	_ =	swait.ge [sflag:s22], s20  }
0x9f: {  	s4 =	ssub.s32 $0x0, s20;
	[sflag:s22] =	ssyncset.done $0x0  }
0xa0: {  	[sflag:s22] =	ssyncadd.s32 s4;
	_ =	sdelay $0x1  }
0xa1: {  	s23 =	simm.s32 $0x1B8B  }
0xa2: {  	_ =	swait.ge [sflag:s23], $0x1  }
0xa3: {  	[sflag:s23] =	ssyncset.done $0x0  }
0xa4: {  	s25 =	simm.s32 $0x1B8E;
	s24 =	sld [smem:$0x3FFE];
	[sflag:s23] =	ssyncadd.s32 $0xFFFFFFFF  }
0xa5: {  	s26 =	simm.s32 $execute0_lowered;
	[smem:$0x3FD2] =	sst s25  }
0xa6: {  	s5 =	sshll.u32 s26, $0x1;
	_ =	strace $0x80000046;
	[dreg:$0x1] =	wrdreg $0xFFFFFFFF  }
0xa7: {  	s28 =	simm.s32 $_size_execute0_lowered;
	s3 =	sadd.s32 s3, s5;
	[dreg:$0x0] =	wrdreg $0x0  }
0xa8: {  	s5 =	sshll.u32 s28, $0x1;
	[dreg:$0x2] =	wrdreg s3  }
0xa9: {  	[dreg:$0x3] =	wrdreg s5  }
0xaa: {  	[dreg:$0x4] =	wrdreg $0xC0  }
0xab: {  	_ =	task [dreg:s7], $0x5FFFF  }
0xac: {  	[dreg:$0x1] =	wrdreg $0xFFFFFFFF  }
0xad: {  	[dreg:$0x0] =	wrdreg $0x60  }
0xae: {  	[dreg:$0x2] =	wrdreg s24  }
0xaf: {  	[dreg:$0x3] =	wrdreg s2  }
0xb0: {  	[dreg:$0x4] =	wrdreg $0x9  }
0xb1: {  	_ =	task.clear_ibuf [dreg:s7], $0x5FFFF;
	_ =	strace $0x90000046  }
0xb2: {  	s29 =	simm.s32 $0x9;
	_ =	strace $0x80000048  }
0xb3: {  	_ =	swait.ge [sflag:s29], $0x1  }
0xb4: {  	[sflag:s29] =	ssyncadd.s32 $0xFFFFFFFF  }
0xb5: {  	_ =	strace $0x90000048  }
0xb6: {  	_ =	sfence  }
0xb7: {  	s30 =	sld [smem:$0x0];
	_ =	sdelay $0x2  }
0xb8: {  	s31 =	sshll.u32 s1, $0xD;
	s1 =	sshrl.u32 s1, $0x2  }
0xb9: {  	s3 =	sand.u32 $0x4000, s31;
	s1 =	sadd.s32 s1, s30  }
0xba: {  	s0 =	sor.u32 s3, s0;
	s1 =	sshll.u32 s1, $0x11  }
0xbb: {  	s0 =	sor.u32 s1, s0  }
0xbc: {  	s0 =	sadd.s32 $0x8F2B, s0  }
0xbd: {  	[sflag:s0] =	ssyncadd.remote.s32 $0x1  }
0xbe: {  	_ =	sfence.sel $0xFFFF  }
0xbf: {  	[dreg:$0x0] =	wrdreg $0xFFFFFFFF;
	(pc) =	sbr.abs _section_cstart, $3  }
0xc0: {  	[dreg:$0x1] =	wrdreg $0xFFFFFFFF  }
0xc1: {  	_ =	task.clear_ibuf [dreg:s7], $0x2FFFF;
	_ =	strace $0x9FFFFFFF  }
0xc2: {  	(tm) =	ssettm $0x7FFFFFFF  }
0xc3: {  	_ =	shalt  }
tec
execute0_lowered:
.L_overlay_start_1:
0x0: {  	(tag) =	ssettag $0x1  }
0x1: {  	s7 =	rddreg [dreg:$0x0]  }
0x2: {  	s3 =	rddreg [dreg:$0x1]  }
0x3: {  	s4 =	srdreg.scid;
	s1 =	stileid.u32  }
0x4: {  	s2 =	simm.s32 $0x0;
	s8 =	sand.u32 $0x1, s4;
	s30 =	sshll.u32 s1, $0x1  }
0x5: {  	[smem:$0x7FF] =	sst s2;
	s4 =	sor.u32 s8, s30  }
0x6: {  	s0 =	rddreg [dreg:$0x2];
	_ =	strace $0x80000047;
	s5 =	sshll.u32 s4, $0x5  }
0x7: {  	s6 =	smul.u32 $0xA00, s4;
	s4 =	simm.s32 $0x2;
	s3 =	sadd.s32 s3, s5  }
0x8: {  	[tilespmem:s2], [sflag:$0x2] =	stream.linear.gather [hbm4b:s3+s2], $0x100, $0x38;
	[tilespmem:$0x5100] =	vst v63  }
0x9: {  	_ =	swait.ge [sflag:s4], $0x100  }
0xa: {  	s10 =	ssub.s32 $0x2, s8;
	s31 =	sadd.s32 s6, s7;
	[sflag:s4] =	ssyncset.done $0x0  }
0xb: {  	s6 =	simm.s32 $0x100;
	s5 =	sadd.s32 $0xE00, s31;
	[sflag:s4] =	ssyncadd.s32 $0xFFFFFF00  }
0xc: {  	[tilespmem:s6], [sflag:$0x2] =	stream.linear.gather [hbm4b:s5+s2], $0x5000, $0x38;
	[tilespmem:$0x5100] =	vst v63  }
0xd: {  	s9 =	simm.s32 $0x50;
	s11 =	sshrl.u32 s10, $0x1;
	_ =	swait.ge [sflag:s4], $0x5000  }
0xe: {  	s8 =	simm.s32 $0x1;
	s10 =	ssub.s32 s10, s11;
	[sflag:s4] =	ssyncset.done $0x0  }
0xf: {  	s7 =	sadd.s32 $0x14E00, s7;
	s12 =	smax.u32 s10, $0x1;
	[sflag:s4] =	ssyncadd.s32 $0xFFFFB000  }
0x10: {  	[hbm4b:s7+s9] =	stream.indirect.scatter [tilespmem:s6], [sflag:$0x1], $0x80, s2, s9, $0xb8;
	[tilespmem:$0x5100] =	vst v63  }
0x11: {  	p0 =	sne.s32 s12, $0x1;
	_ =	swait.ge [sflag:s8], $0x2800  }
.Ltmp0:
0x12: {  	[sflag:s8] =	ssyncset.done $0x0;
	(pc) =	sbr.rel @!p0 .LBB2_2-.Ltmp0, $4  }
0x13: {  	s11 =	simm.s32 $0x2900;
	s10 =	simm.s32 $0x80;
	[sflag:s8] =	ssyncadd.s32 $0xFFFFD800  }
0x14: {  	[hbm4b:s7+s9] =	stream.indirect.scatter [tilespmem:s11], [sflag:$0x1], $0x80, s10, s9, $0xb8;
	[tilespmem:$0x5100] =	vst v63  }
0x15: {  	_ =	swait.ge [sflag:s8], $0x2800  }
0x16: {  	s12 =	sadd.s32 $0xFFFFFFFF, s12;
	[sflag:s8] =	ssyncset.done $0x0  }
.LBB2_1:
0x17: {  	p0 =	sne.s32 s12, $0x1;
	s12 =	sadd.s32 $0xFFFFFFFF, s12;
	[sflag:s8] =	ssyncadd.s32 $0xFFFFD800  }
0x18: {  	[tilespmem:s2], [sflag:$0x2] =	stream.linear.gather [hbm4b:s3+s2], $0x100, $0x38;
	[tilespmem:$0x5100] =	vst v63  }
0x19: {  	_ =	swait.ge [sflag:s4], $0x100  }
0x1a: {  	[sflag:s4] =	ssyncset.done $0x0  }
0x1b: {  	[sflag:s4] =	ssyncadd.s32 $0xFFFFFF00  }
0x1c: {  	[tilespmem:s6], [sflag:$0x2] =	stream.linear.gather [hbm4b:s5+s2], $0x5000, $0x38;
	[tilespmem:$0x5100] =	vst v63  }
0x1d: {  	_ =	swait.ge [sflag:s4], $0x5000  }
0x1e: {  	[sflag:s4] =	ssyncset.done $0x0  }
0x1f: {  	[sflag:s4] =	ssyncadd.s32 $0xFFFFB000  }
0x20: {  	[hbm4b:s7+s9] =	stream.indirect.scatter [tilespmem:s6], [sflag:$0x1], $0x80, s2, s9, $0xb8;
	[tilespmem:$0x5100] =	vst v63  }
0x21: {  	_ =	swait.ge [sflag:s8], $0x2800  }
.Ltmp1:
0x22: {  	[sflag:s8] =	ssyncset.done $0x0;
	(pc) =	sbr.rel @p0 .LBB2_1-.Ltmp1, $4  }
0x23: {  	[sflag:s8] =	ssyncadd.s32 $0xFFFFD800  }
0x24: {  	[hbm4b:s7+s9] =	stream.indirect.scatter [tilespmem:s11], [sflag:$0x1], $0x80, s10, s9, $0xb8;
	[tilespmem:$0x5100] =	vst v63  }
0x25: {  	_ =	swait.ge [sflag:s8], $0x2800  }
0x26: {  	[sflag:s8] =	ssyncset.done $0x0  }
.LBB2_2:
0x27: {  	[sflag:s8] =	ssyncadd.s32 $0xFFFFD800  }
0x28: {  	_ =	sfence.sel $0x180000  }
0x29: {  	[bflag:$0x0] =	sbarrier.arrive $0xFFFF  }
0x2a: {  	p0 =	sne.s32 s1, $0x0;
	_ =	strace $0x90000047  }
0x2b: {  	s0 =	sadd.s32 @!p0 $0x100000, s0;
	[bflag:$0x2] =	sbarrier.arrive $0xFFFF  }
0x2c: {  	[sflag:s0] =	ssyncadd.tile.s32 @!p0 $0x1;
	_ =	shalt  }
.Lfunc_end2:
_tile_overlayer_lowered:
.L_overlay_start_2:
0x2d: {  	(tag) =	ssettag $0x2  }
0x2e: {  	s0 =	rddreg [dreg:$0x0];
	s2 =	stileid.u32  }
0x2f: {  	s1 =	rddreg [dreg:$0x1];
	p0 =	sne.s32 s2, $0x0  }
0x30: {  	s3 =	rddreg [dreg:$0x2];
	[bflag:$0x3] =	sbarrier.arrive $0xFFFF;
	s2 =	simm.s32 @!p0 $0x1C02  }
0x31: {  	[timem:s3], [sflag:s2] =	dma.local @!p0 [hbm:s0], s1  }
0x32: {  	s0 =	simm.s32 @!p0 $0x2  }
0x33: {  	_ =	swait.ge @!p0 [sflag:s0], s1  }
0x34: {  	s1 =	ssub.s32 @!p0 $0x0, s1;
	[sflag:s0] =	ssyncset.done @!p0 $0x0  }
0x35: {  	[sflag:s0] =	ssyncadd.s32 @!p0 s1  }
0x36: {  	[bflag:$0x3] =	sbarrier.arrive $0xFFFF  }
0x37: {  	_ =	shalt  }

</sc_bundles>
